<compile_context>
chip_gen: v7x
topology: tpu7x:2x2x1
jax: 0.10.2.dev20260603
libtpu: 0.0.44.dev20260713+nightly
codegen_flags: <defaults>
</compile_context>

<pallas_src>
import jax
import jax.numpy as jnp
from jax import lax
from jax.experimental import pallas as pl
from jax.experimental.pallas import tpu as pltpu
from jax.experimental.pallas import tpu_sc as plsc

N_USERS = 5000
N_ITEMS = 5000
N = N_USERS + N_ITEMS
D = 128
E = 320000
N_LAYERS = 2
ALPHA = 0.5

NC = 2
NS = 16
CH = 128
NB = 2
NPAD = 10240
ROWS_PER_SUB = NPAD // NS
N_CHUNKS = -(-E // (NS * CH * NB)) * NB
EPC = N_CHUNKS * CH
E_PAD = EPC * NS
E_EXT = E_PAD + 8 * CH
NI = 2

_MESH = plsc.VectorSubcoreMesh(core_axis_name="c", subcore_axis_name="s",
                               num_cores=NC, num_subcores=NS)



def _mm_norm_body(x_ref, w_ref, b_ref, o_ref):
    y = jnp.dot(x_ref[...], w_ref[...], preferred_element_type=jnp.float32)
    y = y + b_ref[...]
    o_ref[...] = y * lax.rsqrt(jnp.sum(y * y, axis=1, keepdims=True) + 1e-12)


def _mm_norm(feats, w, b, bm):
    m, k = feats.shape
    return pl.pallas_call(
        _mm_norm_body,
        grid=(m // bm,),
        in_specs=[
            pl.BlockSpec((bm, k), lambda i: (i, 0)),
            pl.BlockSpec((k, D), lambda i: (0, 0)),
            pl.BlockSpec((1, D), lambda i: (0, 0)),
        ],
        out_specs=pl.BlockSpec((bm, D), lambda i: (i, 0)),
        out_shape=jax.ShapeDtypeStruct((m, D), jnp.float32),
    )(feats, w, b.reshape(1, D))


def _prescale_body(x_ref, deg_ref, o_ref):
    f = lax.rsqrt(jnp.maximum(deg_ref[...], 1.0))
    o_ref[...] = x_ref[...] * f


def _prescale(x, deg_col):
    bm = 2048
    return pl.pallas_call(
        _prescale_body,
        grid=(x.shape[0] // bm,),
        in_specs=[pl.BlockSpec((bm, D), lambda i: (i, 0)),
                  pl.BlockSpec((bm, 1), lambda i: (i, 0))],
        out_specs=pl.BlockSpec((bm, D), lambda i: (i, 0)),
        out_shape=jax.ShapeDtypeStruct(x.shape, jnp.float32),
    )(x, deg_col)


def _post_body(u_ref, x_ref, dd_ref, ds_ref, xn_ref, tn_ref):
    g = lax.rsqrt(jnp.maximum(dd_ref[...], 1.0))
    xn = u_ref[...] * g + ALPHA * x_ref[...]
    xn_ref[...] = xn
    tn_ref[...] = xn * lax.rsqrt(jnp.maximum(ds_ref[...], 1.0))


def _postscale(u, x, dd_col, ds_col):
    bm = 2048
    return pl.pallas_call(
        _post_body,
        grid=(x.shape[0] // bm,),
        in_specs=[pl.BlockSpec((bm, D), lambda i: (i, 0)),
                  pl.BlockSpec((bm, D), lambda i: (i, 0)),
                  pl.BlockSpec((bm, 1), lambda i: (i, 0)),
                  pl.BlockSpec((bm, 1), lambda i: (i, 0))],
        out_specs=[pl.BlockSpec((bm, D), lambda i: (i, 0)),
                   pl.BlockSpec((bm, D), lambda i: (i, 0))],
        out_shape=[jax.ShapeDtypeStruct(x.shape, jnp.float32),
                   jax.ShapeDtypeStruct(x.shape, jnp.float32)],
    )(u, x, dd_col, ds_col)



def _deg_kernel_body(idx2_hbm, ones_hbm, zeros_hbm, deg_hbm,
                     iv0, iv1, ones_v, acc, isem0, isem1):
    ivs = (iv0, iv1)
    isems = (isem0, isem1)
    c = lax.axis_index("c")
    s = lax.axis_index("s")
    ebase = pl.multiple_of(s * EPC, CH)
    pltpu.sync_copy(ones_hbm, ones_v)
    zb = pl.multiple_of(s * ROWS_PER_SUB, 128)
    pltpu.sync_copy(zeros_hbm, acc.at[pl.ds(zb, ROWS_PER_SUB)])
    for b in range(2):
        pltpu.async_copy(idx2_hbm.at[c, pl.ds(ebase + b * CH, CH)],
                         ivs[b], isems[b])
    plsc.subcore_barrier()

    @pl.loop(0, N_CHUNKS, step=2)
    def _(g):
        for b in range(2):
            pltpu.make_async_copy(idx2_hbm.at[c, pl.ds(0, CH)], ivs[b],
                                  isems[b]).wait()
            pltpu.sync_copy(ones_v, acc.at[ivs[b]], add=True)
            nxt = pl.multiple_of(ebase + (g + 2 + b) * CH, CH)
            pltpu.async_copy(idx2_hbm.at[c, pl.ds(nxt, CH)], ivs[b],
                             isems[b])

    for b in range(2):
        pltpu.make_async_copy(idx2_hbm.at[c, pl.ds(0, CH)], ivs[b],
                              isems[b]).wait()
    plsc.subcore_barrier()
    sl = pl.ds(zb, ROWS_PER_SUB)
    pltpu.sync_copy(acc.at[sl], deg_hbm.at[c, sl])


def _degrees(idx2, ones_vec, zeros_vec):
    k = pl.kernel(
        _deg_kernel_body,
        out_type=jax.ShapeDtypeStruct((NC, NPAD), jnp.float32),
        mesh=_MESH,
        scratch_types=[
            pltpu.VMEM((CH,), jnp.int32),
            pltpu.VMEM((CH,), jnp.int32),
            pltpu.VMEM((CH,), jnp.float32),
            pltpu.VMEM_SHARED((NPAD,), jnp.float32),
            pltpu.SemaphoreType.DMA,
            pltpu.SemaphoreType.DMA,
        ],
    )
    return k(idx2, ones_vec, zeros_vec)


def _spmm_kernel_body(t_hbm, src2_hbm, dst_hbm, zrows_hbm, u_hbm, *scr):
    svs = scr[0:NI]
    dvs = scr[NI:2 * NI]
    rows = scr[2 * NI]
    acc = scr[2 * NI + 1]
    isems = scr[2 * NI + 2:2 * NI + 2 + NI]
    dsems = scr[2 * NI + 2 + NI:2 * NI + 2 + 2 * NI]
    gsems = scr[2 * NI + 2 + 2 * NI:]
    c = lax.axis_index("c")
    s = lax.axis_index("s")
    ebase = pl.multiple_of(s * EPC, CH)
    abase = pl.multiple_of(s * ROWS_PER_SUB, 128)

    def refill(slot, q):
        nxt = pl.multiple_of(ebase + q * CH, CH)
        pltpu.async_copy(src2_hbm.at[c, pl.ds(nxt, CH)], svs[slot],
                         isems[slot])
        pltpu.async_copy(dst_hbm.at[pl.ds(nxt, CH)], dvs[slot],
                         dsems[slot])

    pltpu.sync_copy(zrows_hbm, rows.at[0])
    for r in range(ROWS_PER_SUB // CH):
        pltpu.sync_copy(rows.at[0], acc.at[pl.ds(abase + r * CH, CH)])
    for j in range(NI):
        refill(j, j)
    plsc.subcore_barrier()

    @pl.loop(0, N_CHUNKS, step=2)
    def _(g):
        for b in range(2):
            pltpu.make_async_copy(src2_hbm.at[c, pl.ds(0, CH)],
                                  svs[b], isems[b]).wait()
            pltpu.async_copy(t_hbm.at[svs[b]], rows.at[b], gsems[b])
        for b in range(2):
            pltpu.make_async_copy(t_hbm.at[svs[b]], rows.at[b],
                                  gsems[b]).wait()
            pltpu.make_async_copy(dst_hbm.at[pl.ds(0, CH)], dvs[b],
                                  dsems[b]).wait()
            pltpu.sync_copy(rows.at[b], acc.at[dvs[b]], add=True)
            refill(b, g + 2 + b)

    for j in range(NI):
        pltpu.make_async_copy(src2_hbm.at[c, pl.ds(0, CH)], svs[j],
                              isems[j]).wait()
        pltpu.make_async_copy(dst_hbm.at[pl.ds(0, CH)], dvs[j],
                              dsems[j]).wait()
    plsc.subcore_barrier()
    ob = pl.multiple_of(c * NPAD + s * ROWS_PER_SUB, 128)
    pltpu.sync_copy(acc.at[pl.ds(abase, ROWS_PER_SUB)],
                    u_hbm.at[pl.ds(ob, ROWS_PER_SUB)])


def _spmm(t_both, src2, dst_p, zrows):
    k = pl.kernel(
        _spmm_kernel_body,
        out_type=jax.ShapeDtypeStruct((NC * NPAD, D), jnp.float32),
        mesh=_MESH,
        scratch_types=(
            [pltpu.VMEM((CH,), jnp.int32) for _ in range(2 * NI)] + [
                pltpu.VMEM((2, CH, D), jnp.float32),
                pltpu.VMEM_SHARED((NPAD, D), jnp.float32),
            ] + [pltpu.SemaphoreType.DMA] * (2 * NI + 2)
        ),
    )
    return k(t_both, src2, dst_p, zrows)



def kernel(image_feats, text_feats, image_preference, text_preference,
           W_img, b_img, W_txt, b_txt, edge_index):
    src = edge_index[0]
    dst = edge_index[1]
    pad = E_EXT - E
    src_p = jnp.concatenate([src, jnp.full((pad,), N, jnp.int32)])
    dst_p = jnp.concatenate([dst, jnp.full((pad,), N, jnp.int32)])
    src2 = jnp.stack([src_p, src_p + NPAD])
    idx2 = jnp.stack([src_p, dst_p])

    ones_vec = jnp.ones((CH,), jnp.float32)
    zeros_vec = jnp.zeros((ROWS_PER_SUB,), jnp.float32)
    zrows = jnp.zeros((CH, D), jnp.float32)

    deg2 = _degrees(idx2, ones_vec, zeros_vec)
    deg_src = jnp.concatenate([deg2[0], deg2[0]]).reshape(NC * NPAD, 1)
    deg_dst = jnp.concatenate([deg2[1], deg2[1]]).reshape(NC * NPAD, 1)

    img_emb = _mm_norm(image_feats, W_img, b_img, bm=200)
    txt_emb = _mm_norm(text_feats, W_txt, b_txt, bm=200)

    zpad = jnp.zeros((NPAD - N, D), jnp.float32)
    x = jnp.concatenate([image_preference, img_emb, zpad,
                         text_preference, txt_emb, zpad], axis=0)

    t = _prescale(x, deg_src)
    for _layer in range(N_LAYERS):
        u = _spmm(t, src2, dst_p, zrows)
        x, t = _postscale(u, x, deg_dst, deg_src)

    user_preference = jnp.concatenate(
        [x[0:N_USERS], x[NPAD:NPAD + N_USERS]], axis=1)
    items = jnp.concatenate(
        [x[N_USERS:N], x[NPAD + N_USERS:NPAD + N]], axis=1)
    return (user_preference, items)

# --- scband reference (transcript-rebuilt; emitter-appended) ---
"""Pipeline reference for scband-astro-9053791060397 (READ-ONLY COPY).

The authoritative reference and input builder live on the scoring server;
editing this copy changes nothing except your own understanding.
"""

import jax, jax.numpy as jnp
import numpy as np

N_USERS = 5000
N_ITEMS = 5000
N_LAYERS = 2
ALPHA = 0.5
FEAT_DIM = 128
IMG_DIM = 4096
TXT_DIM = 768
E = 320000


def _l2norm(x):
    return x / jnp.sqrt(jnp.sum(x * x, axis=1, keepdims=True) + 1e-12)


def setup_inputs(seed: int = 0) -> dict:
    key = jax.random.key(seed)
    ks = jax.random.split(key, 9)
    N = N_USERS + N_ITEMS
    return {
        "image_feats": jax.random.normal(ks[0], (N_ITEMS, IMG_DIM), dtype=jnp.float32),
        "text_feats": jax.random.normal(ks[1], (N_ITEMS, TXT_DIM), dtype=jnp.float32),
        "image_preference": jax.random.normal(ks[2], (N_USERS, FEAT_DIM), dtype=jnp.float32) * 0.1,
        "text_preference": jax.random.normal(ks[3], (N_USERS, FEAT_DIM), dtype=jnp.float32) * 0.1,
        "W_img": jax.random.normal(ks[4], (IMG_DIM, FEAT_DIM), dtype=jnp.float32) * 0.02,
        "b_img": jnp.zeros((FEAT_DIM,), dtype=jnp.float32),
        "W_txt": jax.random.normal(ks[5], (TXT_DIM, FEAT_DIM), dtype=jnp.float32) * 0.02,
        "b_txt": jnp.zeros((FEAT_DIM,), dtype=jnp.float32),
        "edge_index": jax.random.randint(ks[6], (2, E), 0, N, dtype=jnp.int32),
    }


def reference(image_feats, text_feats, image_preference, text_preference,
              W_img, b_img, W_txt, b_txt, edge_index):
    N = N_USERS + N_ITEMS
    # modality feature transforms (image_trs / text_trs linear layers)
    image_emb = image_feats @ W_img + b_img
    text_emb = text_feats @ W_txt + b_txt
    # has_norm: row-wise L2 normalize
    image_emb = _l2norm(image_emb)
    text_emb = _l2norm(text_emb)
    # ego embeddings: [user preference ; item modality embedding]
    ego_image_emb = jnp.concatenate([image_preference, image_emb], axis=0)
    ego_text_emb = jnp.concatenate([text_preference, text_emb], axis=0)
    # symmetric degree-normalized sparse adjacency (normalize_adj_mat)
    src = edge_index[0]
    dst = edge_index[1]
    deg_src = jnp.bincount(src, length=N).astype(jnp.float32)
    deg_dst = jnp.bincount(dst, length=N).astype(jnp.float32)
    val = jax.lax.rsqrt(jnp.maximum(deg_src[src], 1.0) * jnp.maximum(deg_dst[dst], 1.0))

    def spmm(x):
        msg = x[src] * val[:, None]
        return jnp.zeros((N, x.shape[1]), x.dtype).at[dst].add(msg)

    for _ in range(N_LAYERS):
        side_image_emb = spmm(ego_image_emb)
        side_text_emb = spmm(ego_text_emb)
        ego_image_emb = side_image_emb + ALPHA * ego_image_emb
        ego_text_emb = side_text_emb + ALPHA * ego_text_emb

    final_image_preference = ego_image_emb[:N_USERS]
    final_image_emb = ego_image_emb[N_USERS:]
    final_text_preference = ego_text_emb[:N_USERS]
    final_text_emb = ego_text_emb[N_USERS:]
    items = jnp.concatenate([final_image_emb, final_text_emb], axis=1)
    user_preference = jnp.concatenate([final_image_preference, final_text_preference], axis=1)
    return (user_preference, items)

if __name__ == "__main__":
    import jax
    _d = setup_inputs()
    print(jax.jit(kernel)(*tuple(_d.values())))

</pallas_src>

<mosaic_0001>
#map = affine_map<(d0, d1) -> (0, 0)>
#map1 = affine_map<(d0, d1) -> (0)>
module attributes {stable_mosaic.version = 14 : i64} {
  func.func @_spmm_kernel_body(%arg0: i32, %arg1: i32, %arg2: memref<20480x128xf32, #tpu.memory_space<hbm>>, %arg3: memref<2x324608xi32, #tpu.memory_space<hbm>>, %arg4: memref<324608xi32, #tpu.memory_space<hbm>>, %arg5: memref<128x128xf32, #tpu.memory_space<hbm>>, %arg6: memref<20480x128xf32, #tpu.memory_space<hbm>>, %arg7: memref<128xi32, #tpu.memory_space<vmem>>, %arg8: memref<128xi32, #tpu.memory_space<vmem>>, %arg9: memref<128xi32, #tpu.memory_space<vmem>>, %arg10: memref<128xi32, #tpu.memory_space<vmem>>, %arg11: memref<2x128x128xf32, #tpu.memory_space<vmem>>, %arg12: memref<10240x128xf32, #tpu.memory_space<vmem_shared>>, %arg13: memref<!tpu.dma_semaphore, #tpu.memory_space<semaphore_mem>>, %arg14: memref<!tpu.dma_semaphore, #tpu.memory_space<semaphore_mem>>, %arg15: memref<!tpu.dma_semaphore, #tpu.memory_space<semaphore_mem>>, %arg16: memref<!tpu.dma_semaphore, #tpu.memory_space<semaphore_mem>>, %arg17: memref<!tpu.dma_semaphore, #tpu.memory_space<semaphore_mem>>, %arg18: memref<!tpu.dma_semaphore, #tpu.memory_space<semaphore_mem>>) attributes {dimension_semantics = [#tpu.dimension_semantics<core_parallel>, #tpu.dimension_semantics<subcore_parallel>], iteration_bounds = array<i64: 2, 16>, scalar_prefetch = 0 : i64, scratch_operands = 12 : i64, tpu.core_type = #tpu.core_type<sc_vector_subcore>, window_params = [{transform_indices = #map}, {transform_indices = #map}, {transform_indices = #map1}, {transform_indices = #map}, {transform_indices = #map}]} {
    %mul3A = arith.constant 20224 : i32
    %mul3A_0 = arith.muli %arg1, %mul3A : i32
    %multiple_of3A = tpu.assume_multiple %mul3A_0, 128 : i32
    %mul3A_1 = arith.constant 640 : i32
    %mul3A_2 = arith.muli %arg1, %mul3A_1 : i32
    %multiple_of3A_3 = tpu.assume_multiple %mul3A_2, 128 : i32
    %run_scoped3A = arith.constant 0 : i32
    "tpu.region"() ({
      %run_scoped3A_65 = tpu.sem_alloc : memref<!tpu.dma_semaphore, #tpu.memory_space<semaphore_mem>>
      %dma_start3A_66 = arith.constant 0 : i32
      %dma_start3A_67 = arith.constant 0 : i32
      %dma_start3A_68 = tpu.memref_slice %arg11[%run_scoped3A, %dma_start3A_66, %dma_start3A_67] : memref<2x128x128xf32, #tpu.memory_space<vmem>> -> memref<1x128x128xf32, #tpu.memory_space<vmem>>
      %dma_start3A_69 = tpu.memref_squeeze %dma_start3A_68 : memref<1x128x128xf32, #tpu.memory_space<vmem>> -> memref<128x128xf32, #tpu.memory_space<vmem>>
      %dma_start3A_70 = arith.constant 0 : i32
      %dma_start3A_71 = arith.constant 0 : i32
      %dma_start3A_72 = tpu.memref_slice %arg11[%run_scoped3A, %dma_start3A_70, %dma_start3A_71] : memref<2x128x128xf32, #tpu.memory_space<vmem>> -> memref<1x128x128xf32, #tpu.memory_space<vmem>>
      %dma_start3A_73 = tpu.memref_squeeze %dma_start3A_72 : memref<1x128x128xf32, #tpu.memory_space<vmem>> -> memref<128x128xf32, #tpu.memory_space<vmem>>
      tpu.enqueue_dma source(%arg5 : memref<128x128xf32, #tpu.memory_space<hbm>>) target(%dma_start3A_73 : memref<128x128xf32, #tpu.memory_space<vmem>>) target_semaphore(%run_scoped3A_65 : memref<!tpu.dma_semaphore, #tpu.memory_space<semaphore_mem>>)
      %dma_wait3A_74 = arith.constant 0 : i32
      %dma_wait3A_75 = arith.constant 0 : i32
      %dma_wait3A_76 = tpu.memref_slice %arg11[%run_scoped3A, %dma_wait3A_74, %dma_wait3A_75] : memref<2x128x128xf32, #tpu.memory_space<vmem>> -> memref<1x128x128xf32, #tpu.memory_space<vmem>>
      %dma_wait3A_77 = tpu.memref_squeeze %dma_wait3A_76 : memref<1x128x128xf32, #tpu.memory_space<vmem>> -> memref<128x128xf32, #tpu.memory_space<vmem>>
      %dma_wait3A_78 = arith.constant 0 : i32
      %dma_wait3A_79 = arith.constant 0 : i32
      %dma_wait3A_80 = tpu.memref_slice %arg11[%run_scoped3A, %dma_wait3A_78, %dma_wait3A_79] : memref<2x128x128xf32, #tpu.memory_space<vmem>> -> memref<1x128x128xf32, #tpu.memory_space<vmem>>
      %dma_wait3A_81 = tpu.memref_squeeze %dma_wait3A_80 : memref<1x128x128xf32, #tpu.memory_space<vmem>> -> memref<128x128xf32, #tpu.memory_space<vmem>>
      tpu.wait_dma2 semaphore(%run_scoped3A_65 : memref<!tpu.dma_semaphore, #tpu.memory_space<semaphore_mem>>) src(%arg5 : memref<128x128xf32, #tpu.memory_space<hbm>>) dst(%dma_wait3A_81 : memref<128x128xf32, #tpu.memory_space<vmem>>)
      tpu.yield
    }) : () -> ()
    %add3A = arith.constant 0 : i32
    %add3A_4 = arith.addi %multiple_of3A_3, %add3A : i32
    %run_scoped3A_5 = arith.constant 0 : i32
    "tpu.region"() ({
      %run_scoped3A_65 = tpu.sem_alloc : memref<!tpu.dma_semaphore, #tpu.memory_space<semaphore_mem>>
      %dma_start3A_66 = arith.constant 0 : i32
      %dma_start3A_67 = arith.constant 0 : i32
      %dma_start3A_68 = tpu.memref_slice %arg11[%run_scoped3A_5, %dma_start3A_66, %dma_start3A_67] : memref<2x128x128xf32, #tpu.memory_space<vmem>> -> memref<1x128x128xf32, #tpu.memory_space<vmem>>
      %dma_start3A_69 = tpu.memref_squeeze %dma_start3A_68 : memref<1x128x128xf32, #tpu.memory_space<vmem>> -> memref<128x128xf32, #tpu.memory_space<vmem>>
      %dma_start3A_70 = arith.constant 0 : i32
      %dma_start3A_71 = tpu.memref_slice %arg12[%add3A_4, %dma_start3A_70] : memref<10240x128xf32, #tpu.memory_space<vmem_shared>> -> memref<128x128xf32, #tpu.memory_space<vmem_shared>>
      %dma_start3A_72 = arith.constant 0 : i32
      %dma_start3A_73 = tpu.memref_slice %arg12[%add3A_4, %dma_start3A_72] : memref<10240x128xf32, #tpu.memory_space<vmem_shared>> -> memref<128x128xf32, #tpu.memory_space<vmem_shared>>
      %dma_start3A_74 = arith.constant 0 : i32
      %dma_start3A_75 = arith.constant 0 : i32
      %dma_start3A_76 = tpu.memref_slice %arg11[%run_scoped3A_5, %dma_start3A_74, %dma_start3A_75] : memref<2x128x128xf32, #tpu.memory_space<vmem>> -> memref<1x128x128xf32, #tpu.memory_space<vmem>>
      %dma_start3A_77 = tpu.memref_squeeze %dma_start3A_76 : memref<1x128x128xf32, #tpu.memory_space<vmem>> -> memref<128x128xf32, #tpu.memory_space<vmem>>
      tpu.enqueue_dma source(%dma_start3A_77 : memref<128x128xf32, #tpu.memory_space<vmem>>) target(%dma_start3A_73 : memref<128x128xf32, #tpu.memory_space<vmem_shared>>) target_semaphore(%run_scoped3A_65 : memref<!tpu.dma_semaphore, #tpu.memory_space<semaphore_mem>>)
      %dma_wait3A_78 = arith.constant 0 : i32
      %dma_wait3A_79 = arith.constant 0 : i32
      %dma_wait3A_80 = tpu.memref_slice %arg11[%run_scoped3A_5, %dma_wait3A_78, %dma_wait3A_79] : memref<2x128x128xf32, #tpu.memory_space<vmem>> -> memref<1x128x128xf32, #tpu.memory_space<vmem>>
      %dma_wait3A_81 = tpu.memref_squeeze %dma_wait3A_80 : memref<1x128x128xf32, #tpu.memory_space<vmem>> -> memref<128x128xf32, #tpu.memory_space<vmem>>
      %dma_wait3A_82 = arith.constant 0 : i32
      %dma_wait3A_83 = tpu.memref_slice %arg12[%add3A_4, %dma_wait3A_82] : memref<10240x128xf32, #tpu.memory_space<vmem_shared>> -> memref<128x128xf32, #tpu.memory_space<vmem_shared>>
      %dma_wait3A_84 = arith.constant 0 : i32
      %dma_wait3A_85 = tpu.memref_slice %arg12[%add3A_4, %dma_wait3A_84] : memref<10240x128xf32, #tpu.memory_space<vmem_shared>> -> memref<128x128xf32, #tpu.memory_space<vmem_shared>>
      %dma_wait3A_86 = arith.constant 0 : i32
      %dma_wait3A_87 = arith.constant 0 : i32
      %dma_wait3A_88 = tpu.memref_slice %arg11[%run_scoped3A_5, %dma_wait3A_86, %dma_wait3A_87] : memref<2x128x128xf32, #tpu.memory_space<vmem>> -> memref<1x128x128xf32, #tpu.memory_space<vmem>>
      %dma_wait3A_89 = tpu.memref_squeeze %dma_wait3A_88 : memref<1x128x128xf32, #tpu.memory_space<vmem>> -> memref<128x128xf32, #tpu.memory_space<vmem>>
      tpu.wait_dma2 semaphore(%run_scoped3A_65 : memref<!tpu.dma_semaphore, #tpu.memory_space<semaphore_mem>>) src(%dma_wait3A_89 : memref<128x128xf32, #tpu.memory_space<vmem>>) dst(%dma_wait3A_85 : memref<128x128xf32, #tpu.memory_space<vmem_shared>>)
      tpu.yield
    }) : () -> ()
    %add3A_6 = arith.constant 128 : i32
    %add3A_7 = arith.addi %multiple_of3A_3, %add3A_6 : i32
    %run_scoped3A_8 = arith.constant 0 : i32
    "tpu.region"() ({
      %run_scoped3A_65 = tpu.sem_alloc : memref<!tpu.dma_semaphore, #tpu.memory_space<semaphore_mem>>
      %dma_start3A_66 = arith.constant 0 : i32
      %dma_start3A_67 = arith.constant 0 : i32
      %dma_start3A_68 = tpu.memref_slice %arg11[%run_scoped3A_8, %dma_start3A_66, %dma_start3A_67] : memref<2x128x128xf32, #tpu.memory_space<vmem>> -> memref<1x128x128xf32, #tpu.memory_space<vmem>>
      %dma_start3A_69 = tpu.memref_squeeze %dma_start3A_68 : memref<1x128x128xf32, #tpu.memory_space<vmem>> -> memref<128x128xf32, #tpu.memory_space<vmem>>
      %dma_start3A_70 = arith.constant 0 : i32
      %dma_start3A_71 = tpu.memref_slice %arg12[%add3A_7, %dma_start3A_70] : memref<10240x128xf32, #tpu.memory_space<vmem_shared>> -> memref<128x128xf32, #tpu.memory_space<vmem_shared>>
      %dma_start3A_72 = arith.constant 0 : i32
      %dma_start3A_73 = tpu.memref_slice %arg12[%add3A_7, %dma_start3A_72] : memref<10240x128xf32, #tpu.memory_space<vmem_shared>> -> memref<128x128xf32, #tpu.memory_space<vmem_shared>>
      %dma_start3A_74 = arith.constant 0 : i32
      %dma_start3A_75 = arith.constant 0 : i32
      %dma_start3A_76 = tpu.memref_slice %arg11[%run_scoped3A_8, %dma_start3A_74, %dma_start3A_75] : memref<2x128x128xf32, #tpu.memory_space<vmem>> -> memref<1x128x128xf32, #tpu.memory_space<vmem>>
      %dma_start3A_77 = tpu.memref_squeeze %dma_start3A_76 : memref<1x128x128xf32, #tpu.memory_space<vmem>> -> memref<128x128xf32, #tpu.memory_space<vmem>>
      tpu.enqueue_dma source(%dma_start3A_77 : memref<128x128xf32, #tpu.memory_space<vmem>>) target(%dma_start3A_73 : memref<128x128xf32, #tpu.memory_space<vmem_shared>>) target_semaphore(%run_scoped3A_65 : memref<!tpu.dma_semaphore, #tpu.memory_space<semaphore_mem>>)
      %dma_wait3A_78 = arith.constant 0 : i32
      %dma_wait3A_79 = arith.constant 0 : i32
      %dma_wait3A_80 = tpu.memref_slice %arg11[%run_scoped3A_8, %dma_wait3A_78, %dma_wait3A_79] : memref<2x128x128xf32, #tpu.memory_space<vmem>> -> memref<1x128x128xf32, #tpu.memory_space<vmem>>
      %dma_wait3A_81 = tpu.memref_squeeze %dma_wait3A_80 : memref<1x128x128xf32, #tpu.memory_space<vmem>> -> memref<128x128xf32, #tpu.memory_space<vmem>>
      %dma_wait3A_82 = arith.constant 0 : i32
      %dma_wait3A_83 = tpu.memref_slice %arg12[%add3A_7, %dma_wait3A_82] : memref<10240x128xf32, #tpu.memory_space<vmem_shared>> -> memref<128x128xf32, #tpu.memory_space<vmem_shared>>
      %dma_wait3A_84 = arith.constant 0 : i32
      %dma_wait3A_85 = tpu.memref_slice %arg12[%add3A_7, %dma_wait3A_84] : memref<10240x128xf32, #tpu.memory_space<vmem_shared>> -> memref<128x128xf32, #tpu.memory_space<vmem_shared>>
      %dma_wait3A_86 = arith.constant 0 : i32
      %dma_wait3A_87 = arith.constant 0 : i32
      %dma_wait3A_88 = tpu.memref_slice %arg11[%run_scoped3A_8, %dma_wait3A_86, %dma_wait3A_87] : memref<2x128x128xf32, #tpu.memory_space<vmem>> -> memref<1x128x128xf32, #tpu.memory_space<vmem>>
      %dma_wait3A_89 = tpu.memref_squeeze %dma_wait3A_88 : memref<1x128x128xf32, #tpu.memory_space<vmem>> -> memref<128x128xf32, #tpu.memory_space<vmem>>
      tpu.wait_dma2 semaphore(%run_scoped3A_65 : memref<!tpu.dma_semaphore, #tpu.memory_space<semaphore_mem>>) src(%dma_wait3A_89 : memref<128x128xf32, #tpu.memory_space<vmem>>) dst(%dma_wait3A_85 : memref<128x128xf32, #tpu.memory_space<vmem_shared>>)
      tpu.yield
    }) : () -> ()
    %add3A_9 = arith.constant 256 : i32
    %add3A_10 = arith.addi %multiple_of3A_3, %add3A_9 : i32
    %run_scoped3A_11 = arith.constant 0 : i32
    "tpu.region"() ({
      %run_scoped3A_65 = tpu.sem_alloc : memref<!tpu.dma_semaphore, #tpu.memory_space<semaphore_mem>>
      %dma_start3A_66 = arith.constant 0 : i32
      %dma_start3A_67 = arith.constant 0 : i32
      %dma_start3A_68 = tpu.memref_slice %arg11[%run_scoped3A_11, %dma_start3A_66, %dma_start3A_67] : memref<2x128x128xf32, #tpu.memory_space<vmem>> -> memref<1x128x128xf32, #tpu.memory_space<vmem>>
      %dma_start3A_69 = tpu.memref_squeeze %dma_start3A_68 : memref<1x128x128xf32, #tpu.memory_space<vmem>> -> memref<128x128xf32, #tpu.memory_space<vmem>>
      %dma_start3A_70 = arith.constant 0 : i32
      %dma_start3A_71 = tpu.memref_slice %arg12[%add3A_10, %dma_start3A_70] : memref<10240x128xf32, #tpu.memory_space<vmem_shared>> -> memref<128x128xf32, #tpu.memory_space<vmem_shared>>
      %dma_start3A_72 = arith.constant 0 : i32
      %dma_start3A_73 = tpu.memref_slice %arg12[%add3A_10, %dma_start3A_72] : memref<10240x128xf32, #tpu.memory_space<vmem_shared>> -> memref<128x128xf32, #tpu.memory_space<vmem_shared>>
      %dma_start3A_74 = arith.constant 0 : i32
      %dma_start3A_75 = arith.constant 0 : i32
      %dma_start3A_76 = tpu.memref_slice %arg11[%run_scoped3A_11, %dma_start3A_74, %dma_start3A_75] : memref<2x128x128xf32, #tpu.memory_space<vmem>> -> memref<1x128x128xf32, #tpu.memory_space<vmem>>
      %dma_start3A_77 = tpu.memref_squeeze %dma_start3A_76 : memref<1x128x128xf32, #tpu.memory_space<vmem>> -> memref<128x128xf32, #tpu.memory_space<vmem>>
      tpu.enqueue_dma source(%dma_start3A_77 : memref<128x128xf32, #tpu.memory_space<vmem>>) target(%dma_start3A_73 : memref<128x128xf32, #tpu.memory_space<vmem_shared>>) target_semaphore(%run_scoped3A_65 : memref<!tpu.dma_semaphore, #tpu.memory_space<semaphore_mem>>)
      %dma_wait3A_78 = arith.constant 0 : i32
      %dma_wait3A_79 = arith.constant 0 : i32
      %dma_wait3A_80 = tpu.memref_slice %arg11[%run_scoped3A_11, %dma_wait3A_78, %dma_wait3A_79] : memref<2x128x128xf32, #tpu.memory_space<vmem>> -> memref<1x128x128xf32, #tpu.memory_space<vmem>>
      %dma_wait3A_81 = tpu.memref_squeeze %dma_wait3A_80 : memref<1x128x128xf32, #tpu.memory_space<vmem>> -> memref<128x128xf32, #tpu.memory_space<vmem>>
      %dma_wait3A_82 = arith.constant 0 : i32
      %dma_wait3A_83 = tpu.memref_slice %arg12[%add3A_10, %dma_wait3A_82] : memref<10240x128xf32, #tpu.memory_space<vmem_shared>> -> memref<128x128xf32, #tpu.memory_space<vmem_shared>>
      %dma_wait3A_84 = arith.constant 0 : i32
      %dma_wait3A_85 = tpu.memref_slice %arg12[%add3A_10, %dma_wait3A_84] : memref<10240x128xf32, #tpu.memory_space<vmem_shared>> -> memref<128x128xf32, #tpu.memory_space<vmem_shared>>
      %dma_wait3A_86 = arith.constant 0 : i32
      %dma_wait3A_87 = arith.constant 0 : i32
      %dma_wait3A_88 = tpu.memref_slice %arg11[%run_scoped3A_11, %dma_wait3A_86, %dma_wait3A_87] : memref<2x128x128xf32, #tpu.memory_space<vmem>> -> memref<1x128x128xf32, #tpu.memory_space<vmem>>
      %dma_wait3A_89 = tpu.memref_squeeze %dma_wait3A_88 : memref<1x128x128xf32, #tpu.memory_space<vmem>> -> memref<128x128xf32, #tpu.memory_space<vmem>>
      tpu.wait_dma2 semaphore(%run_scoped3A_65 : memref<!tpu.dma_semaphore, #tpu.memory_space<semaphore_mem>>) src(%dma_wait3A_89 : memref<128x128xf32, #tpu.memory_space<vmem>>) dst(%dma_wait3A_85 : memref<128x128xf32, #tpu.memory_space<vmem_shared>>)
      tpu.yield
    }) : () -> ()
    %add3A_12 = arith.constant 384 : i32
    %add3A_13 = arith.addi %multiple_of3A_3, %add3A_12 : i32
    %run_scoped3A_14 = arith.constant 0 : i32
    "tpu.region"() ({
      %run_scoped3A_65 = tpu.sem_alloc : memref<!tpu.dma_semaphore, #tpu.memory_space<semaphore_mem>>
      %dma_start3A_66 = arith.constant 0 : i32
      %dma_start3A_67 = arith.constant 0 : i32
      %dma_start3A_68 = tpu.memref_slice %arg11[%run_scoped3A_14, %dma_start3A_66, %dma_start3A_67] : memref<2x128x128xf32, #tpu.memory_space<vmem>> -> memref<1x128x128xf32, #tpu.memory_space<vmem>>
      %dma_start3A_69 = tpu.memref_squeeze %dma_start3A_68 : memref<1x128x128xf32, #tpu.memory_space<vmem>> -> memref<128x128xf32, #tpu.memory_space<vmem>>
      %dma_start3A_70 = arith.constant 0 : i32
      %dma_start3A_71 = tpu.memref_slice %arg12[%add3A_13, %dma_start3A_70] : memref<10240x128xf32, #tpu.memory_space<vmem_shared>> -> memref<128x128xf32, #tpu.memory_space<vmem_shared>>
      %dma_start3A_72 = arith.constant 0 : i32
      %dma_start3A_73 = tpu.memref_slice %arg12[%add3A_13, %dma_start3A_72] : memref<10240x128xf32, #tpu.memory_space<vmem_shared>> -> memref<128x128xf32, #tpu.memory_space<vmem_shared>>
      %dma_start3A_74 = arith.constant 0 : i32
      %dma_start3A_75 = arith.constant 0 : i32
      %dma_start3A_76 = tpu.memref_slice %arg11[%run_scoped3A_14, %dma_start3A_74, %dma_start3A_75] : memref<2x128x128xf32, #tpu.memory_space<vmem>> -> memref<1x128x128xf32, #tpu.memory_space<vmem>>
      %dma_start3A_77 = tpu.memref_squeeze %dma_start3A_76 : memref<1x128x128xf32, #tpu.memory_space<vmem>> -> memref<128x128xf32, #tpu.memory_space<vmem>>
      tpu.enqueue_dma source(%dma_start3A_77 : memref<128x128xf32, #tpu.memory_space<vmem>>) target(%dma_start3A_73 : memref<128x128xf32, #tpu.memory_space<vmem_shared>>) target_semaphore(%run_scoped3A_65 : memref<!tpu.dma_semaphore, #tpu.memory_space<semaphore_mem>>)
      %dma_wait3A_78 = arith.constant 0 : i32
      %dma_wait3A_79 = arith.constant 0 : i32
      %dma_wait3A_80 = tpu.memref_slice %arg11[%run_scoped3A_14, %dma_wait3A_78, %dma_wait3A_79] : memref<2x128x128xf32, #tpu.memory_space<vmem>> -> memref<1x128x128xf32, #tpu.memory_space<vmem>>
      %dma_wait3A_81 = tpu.memref_squeeze %dma_wait3A_80 : memref<1x128x128xf32, #tpu.memory_space<vmem>> -> memref<128x128xf32, #tpu.memory_space<vmem>>
      %dma_wait3A_82 = arith.constant 0 : i32
      %dma_wait3A_83 = tpu.memref_slice %arg12[%add3A_13, %dma_wait3A_82] : memref<10240x128xf32, #tpu.memory_space<vmem_shared>> -> memref<128x128xf32, #tpu.memory_space<vmem_shared>>
      %dma_wait3A_84 = arith.constant 0 : i32
      %dma_wait3A_85 = tpu.memref_slice %arg12[%add3A_13, %dma_wait3A_84] : memref<10240x128xf32, #tpu.memory_space<vmem_shared>> -> memref<128x128xf32, #tpu.memory_space<vmem_shared>>
      %dma_wait3A_86 = arith.constant 0 : i32
      %dma_wait3A_87 = arith.constant 0 : i32
      %dma_wait3A_88 = tpu.memref_slice %arg11[%run_scoped3A_14, %dma_wait3A_86, %dma_wait3A_87] : memref<2x128x128xf32, #tpu.memory_space<vmem>> -> memref<1x128x128xf32, #tpu.memory_space<vmem>>
      %dma_wait3A_89 = tpu.memref_squeeze %dma_wait3A_88 : memref<1x128x128xf32, #tpu.memory_space<vmem>> -> memref<128x128xf32, #tpu.memory_space<vmem>>
      tpu.wait_dma2 semaphore(%run_scoped3A_65 : memref<!tpu.dma_semaphore, #tpu.memory_space<semaphore_mem>>) src(%dma_wait3A_89 : memref<128x128xf32, #tpu.memory_space<vmem>>) dst(%dma_wait3A_85 : memref<128x128xf32, #tpu.memory_space<vmem_shared>>)
      tpu.yield
    }) : () -> ()
    %add3A_15 = arith.constant 512 : i32
    %add3A_16 = arith.addi %multiple_of3A_3, %add3A_15 : i32
    %run_scoped3A_17 = arith.constant 0 : i32
    "tpu.region"() ({
      %run_scoped3A_65 = tpu.sem_alloc : memref<!tpu.dma_semaphore, #tpu.memory_space<semaphore_mem>>
      %dma_start3A_66 = arith.constant 0 : i32
      %dma_start3A_67 = arith.constant 0 : i32
      %dma_start3A_68 = tpu.memref_slice %arg11[%run_scoped3A_17, %dma_start3A_66, %dma_start3A_67] : memref<2x128x128xf32, #tpu.memory_space<vmem>> -> memref<1x128x128xf32, #tpu.memory_space<vmem>>
      %dma_start3A_69 = tpu.memref_squeeze %dma_start3A_68 : memref<1x128x128xf32, #tpu.memory_space<vmem>> -> memref<128x128xf32, #tpu.memory_space<vmem>>
      %dma_start3A_70 = arith.constant 0 : i32
      %dma_start3A_71 = tpu.memref_slice %arg12[%add3A_16, %dma_start3A_70] : memref<10240x128xf32, #tpu.memory_space<vmem_shared>> -> memref<128x128xf32, #tpu.memory_space<vmem_shared>>
      %dma_start3A_72 = arith.constant 0 : i32
      %dma_start3A_73 = tpu.memref_slice %arg12[%add3A_16, %dma_start3A_72] : memref<10240x128xf32, #tpu.memory_space<vmem_shared>> -> memref<128x128xf32, #tpu.memory_space<vmem_shared>>
      %dma_start3A_74 = arith.constant 0 : i32
      %dma_start3A_75 = arith.constant 0 : i32
      %dma_start3A_76 = tpu.memref_slice %arg11[%run_scoped3A_17, %dma_start3A_74, %dma_start3A_75] : memref<2x128x128xf32, #tpu.memory_space<vmem>> -> memref<1x128x128xf32, #tpu.memory_space<vmem>>
      %dma_start3A_77 = tpu.memref_squeeze %dma_start3A_76 : memref<1x128x128xf32, #tpu.memory_space<vmem>> -> memref<128x128xf32, #tpu.memory_space<vmem>>
      tpu.enqueue_dma source(%dma_start3A_77 : memref<128x128xf32, #tpu.memory_space<vmem>>) target(%dma_start3A_73 : memref<128x128xf32, #tpu.memory_space<vmem_shared>>) target_semaphore(%run_scoped3A_65 : memref<!tpu.dma_semaphore, #tpu.memory_space<semaphore_mem>>)
      %dma_wait3A_78 = arith.constant 0 : i32
      %dma_wait3A_79 = arith.constant 0 : i32
      %dma_wait3A_80 = tpu.memref_slice %arg11[%run_scoped3A_17, %dma_wait3A_78, %dma_wait3A_79] : memref<2x128x128xf32, #tpu.memory_space<vmem>> -> memref<1x128x128xf32, #tpu.memory_space<vmem>>
      %dma_wait3A_81 = tpu.memref_squeeze %dma_wait3A_80 : memref<1x128x128xf32, #tpu.memory_space<vmem>> -> memref<128x128xf32, #tpu.memory_space<vmem>>
      %dma_wait3A_82 = arith.constant 0 : i32
      %dma_wait3A_83 = tpu.memref_slice %arg12[%add3A_16, %dma_wait3A_82] : memref<10240x128xf32, #tpu.memory_space<vmem_shared>> -> memref<128x128xf32, #tpu.memory_space<vmem_shared>>
      %dma_wait3A_84 = arith.constant 0 : i32
      %dma_wait3A_85 = tpu.memref_slice %arg12[%add3A_16, %dma_wait3A_84] : memref<10240x128xf32, #tpu.memory_space<vmem_shared>> -> memref<128x128xf32, #tpu.memory_space<vmem_shared>>
      %dma_wait3A_86 = arith.constant 0 : i32
      %dma_wait3A_87 = arith.constant 0 : i32
      %dma_wait3A_88 = tpu.memref_slice %arg11[%run_scoped3A_17, %dma_wait3A_86, %dma_wait3A_87] : memref<2x128x128xf32, #tpu.memory_space<vmem>> -> memref<1x128x128xf32, #tpu.memory_space<vmem>>
      %dma_wait3A_89 = tpu.memref_squeeze %dma_wait3A_88 : memref<1x128x128xf32, #tpu.memory_space<vmem>> -> memref<128x128xf32, #tpu.memory_space<vmem>>
      tpu.wait_dma2 semaphore(%run_scoped3A_65 : memref<!tpu.dma_semaphore, #tpu.memory_space<semaphore_mem>>) src(%dma_wait3A_89 : memref<128x128xf32, #tpu.memory_space<vmem>>) dst(%dma_wait3A_85 : memref<128x128xf32, #tpu.memory_space<vmem_shared>>)
      tpu.yield
    }) : () -> ()
    %add3A_18 = arith.constant 0 : i32
    %add3A_19 = arith.addi %multiple_of3A, %add3A_18 : i32
    %multiple_of3A_20 = tpu.assume_multiple %add3A_19, 128 : i32
    %dma_start3A = tpu.memref_slice %arg3[%arg0, %multiple_of3A_20] : memref<2x324608xi32, #tpu.memory_space<hbm>> -> memref<1x128xi32, #tpu.memory_space<hbm>>
    %dma_start3A_21 = tpu.memref_squeeze %dma_start3A : memref<1x128xi32, #tpu.memory_space<hbm>> -> memref<128xi32, #tpu.memory_space<hbm>>
    %dma_start3A_22 = tpu.memref_slice %arg3[%arg0, %multiple_of3A_20] : memref<2x324608xi32, #tpu.memory_space<hbm>> -> memref<1x128xi32, #tpu.memory_space<hbm>>
    %dma_start3A_23 = tpu.memref_squeeze %dma_start3A_22 : memref<1x128xi32, #tpu.memory_space<hbm>> -> memref<128xi32, #tpu.memory_space<hbm>>
    tpu.enqueue_dma source(%dma_start3A_23 : memref<128xi32, #tpu.memory_space<hbm>>) target(%arg7 : memref<128xi32, #tpu.memory_space<vmem>>) target_semaphore(%arg13 : memref<!tpu.dma_semaphore, #tpu.memory_space<semaphore_mem>>)
    %dma_start3A_24 = tpu.memref_slice %arg4[%multiple_of3A_20] : memref<324608xi32, #tpu.memory_space<hbm>> -> memref<128xi32, #tpu.memory_space<hbm>>
    %dma_start3A_25 = tpu.memref_slice %arg4[%multiple_of3A_20] : memref<324608xi32, #tpu.memory_space<hbm>> -> memref<128xi32, #tpu.memory_space<hbm>>
    tpu.enqueue_dma source(%dma_start3A_25 : memref<128xi32, #tpu.memory_space<hbm>>) target(%arg9 : memref<128xi32, #tpu.memory_space<vmem>>) target_semaphore(%arg15 : memref<!tpu.dma_semaphore, #tpu.memory_space<semaphore_mem>>)
    %add3A_26 = arith.constant 128 : i32
    %add3A_27 = arith.addi %multiple_of3A, %add3A_26 : i32
    %multiple_of3A_28 = tpu.assume_multiple %add3A_27, 128 : i32
    %dma_start3A_29 = tpu.memref_slice %arg3[%arg0, %multiple_of3A_28] : memref<2x324608xi32, #tpu.memory_space<hbm>> -> memref<1x128xi32, #tpu.memory_space<hbm>>
    %dma_start3A_30 = tpu.memref_squeeze %dma_start3A_29 : memref<1x128xi32, #tpu.memory_space<hbm>> -> memref<128xi32, #tpu.memory_space<hbm>>
    %dma_start3A_31 = tpu.memref_slice %arg3[%arg0, %multiple_of3A_28] : memref<2x324608xi32, #tpu.memory_space<hbm>> -> memref<1x128xi32, #tpu.memory_space<hbm>>
    %dma_start3A_32 = tpu.memref_squeeze %dma_start3A_31 : memref<1x128xi32, #tpu.memory_space<hbm>> -> memref<128xi32, #tpu.memory_space<hbm>>
    tpu.enqueue_dma source(%dma_start3A_32 : memref<128xi32, #tpu.memory_space<hbm>>) target(%arg8 : memref<128xi32, #tpu.memory_space<vmem>>) target_semaphore(%arg14 : memref<!tpu.dma_semaphore, #tpu.memory_space<semaphore_mem>>)
    %dma_start3A_33 = tpu.memref_slice %arg4[%multiple_of3A_28] : memref<324608xi32, #tpu.memory_space<hbm>> -> memref<128xi32, #tpu.memory_space<hbm>>
    %dma_start3A_34 = tpu.memref_slice %arg4[%multiple_of3A_28] : memref<324608xi32, #tpu.memory_space<hbm>> -> memref<128xi32, #tpu.memory_space<hbm>>
    tpu.enqueue_dma source(%dma_start3A_34 : memref<128xi32, #tpu.memory_space<hbm>>) target(%arg10 : memref<128xi32, #tpu.memory_space<vmem>>) target_semaphore(%arg16 : memref<!tpu.dma_semaphore, #tpu.memory_space<semaphore_mem>>)
    %barrier3A = arith.constant 0 : index
    tpu.barrier barrier_id(%barrier3A)
    %scan3A = arith.constant 0 : i32
    %scan3A_35 = arith.constant 79 : i32
    %scan3A_36 = arith.addi %scan3A, %scan3A_35 : i32
    %scan3A_37 = arith.constant 1 : i32
    scf.for %scan3A_65 = %scan3A to %scan3A_36 step %scan3A_37  : i32 {
      %mul3A_66 = arith.constant 2 : i32
      %mul3A_67 = arith.muli %scan3A_65, %mul3A_66 : i32
      %add3A_68 = arith.constant 0 : i32
      %add3A_69 = arith.addi %add3A_68, %mul3A_67 : i32
      %dma_wait3A_70 = arith.constant 0 : i32
      %dma_wait3A_71 = tpu.memref_slice %arg3[%arg0, %dma_wait3A_70] : memref<2x324608xi32, #tpu.memory_space<hbm>> -> memref<1x128xi32, #tpu.memory_space<hbm>>
      %dma_wait3A_72 = tpu.memref_squeeze %dma_wait3A_71 : memref<1x128xi32, #tpu.memory_space<hbm>> -> memref<128xi32, #tpu.memory_space<hbm>>
      %dma_wait3A_73 = arith.constant 0 : i32
      %dma_wait3A_74 = tpu.memref_slice %arg3[%arg0, %dma_wait3A_73] : memref<2x324608xi32, #tpu.memory_space<hbm>> -> memref<1x128xi32, #tpu.memory_space<hbm>>
      %dma_wait3A_75 = tpu.memref_squeeze %dma_wait3A_74 : memref<1x128xi32, #tpu.memory_space<hbm>> -> memref<128xi32, #tpu.memory_space<hbm>>
      tpu.wait_dma2 semaphore(%arg13 : memref<!tpu.dma_semaphore, #tpu.memory_space<semaphore_mem>>) src(%dma_wait3A_75 : memref<128xi32, #tpu.memory_space<hbm>>) dst(%arg7 : memref<128xi32, #tpu.memory_space<vmem>>)
      %dma_start3A_76 = arith.constant 0 : i32
      %dma_start3A_77 = arith.constant 0 : i32
      %dma_start3A_78 = arith.constant 0 : i32
      %dma_start3A_79 = tpu.memref_slice %arg11[%dma_start3A_76, %dma_start3A_77, %dma_start3A_78] : memref<2x128x128xf32, #tpu.memory_space<vmem>> -> memref<1x128x128xf32, #tpu.memory_space<vmem>>
      %dma_start3A_80 = tpu.memref_squeeze %dma_start3A_79 : memref<1x128x128xf32, #tpu.memory_space<vmem>> -> memref<128x128xf32, #tpu.memory_space<vmem>>
      %dma_start3A_81 = arith.constant 0 : i32
      %dma_start3A_82 = arith.constant 0 : i32
      %dma_start3A_83 = tpu.memref_slice %arg2[%dma_start3A_81, %dma_start3A_82] : memref<20480x128xf32, #tpu.memory_space<hbm>> -> memref<20480x128xf32, #tpu.memory_space<hbm>>
      tpu.enqueue_indirect_dma source(%dma_start3A_83 : memref<20480x128xf32, #tpu.memory_space<hbm>>) target(%dma_start3A_80 : memref<128x128xf32, #tpu.memory_space<vmem>>) offsets(%arg7 : memref<128xi32, #tpu.memory_space<vmem>>) semaphore(%arg17 : memref<!tpu.dma_semaphore, #tpu.memory_space<semaphore_mem>>)
      %dma_wait3A_84 = arith.constant 0 : i32
      %dma_wait3A_85 = tpu.memref_slice %arg3[%arg0, %dma_wait3A_84] : memref<2x324608xi32, #tpu.memory_space<hbm>> -> memref<1x128xi32, #tpu.memory_space<hbm>>
      %dma_wait3A_86 = tpu.memref_squeeze %dma_wait3A_85 : memref<1x128xi32, #tpu.memory_space<hbm>> -> memref<128xi32, #tpu.memory_space<hbm>>
      %dma_wait3A_87 = arith.constant 0 : i32
      %dma_wait3A_88 = tpu.memref_slice %arg3[%arg0, %dma_wait3A_87] : memref<2x324608xi32, #tpu.memory_space<hbm>> -> memref<1x128xi32, #tpu.memory_space<hbm>>
      %dma_wait3A_89 = tpu.memref_squeeze %dma_wait3A_88 : memref<1x128xi32, #tpu.memory_space<hbm>> -> memref<128xi32, #tpu.memory_space<hbm>>
      tpu.wait_dma2 semaphore(%arg14 : memref<!tpu.dma_semaphore, #tpu.memory_space<semaphore_mem>>) src(%dma_wait3A_89 : memref<128xi32, #tpu.memory_space<hbm>>) dst(%arg8 : memref<128xi32, #tpu.memory_space<vmem>>)
      %dma_start3A_90 = arith.constant 1 : i32
      %dma_start3A_91 = arith.constant 0 : i32
      %dma_start3A_92 = arith.constant 0 : i32
      %dma_start3A_93 = tpu.memref_slice %arg11[%dma_start3A_90, %dma_start3A_91, %dma_start3A_92] : memref<2x128x128xf32, #tpu.memory_space<vmem>> -> memref<1x128x128xf32, #tpu.memory_space<vmem>>
      %dma_start3A_94 = tpu.memref_squeeze %dma_start3A_93 : memref<1x128x128xf32, #tpu.memory_space<vmem>> -> memref<128x128xf32, #tpu.memory_space<vmem>>
      %dma_start3A_95 = arith.constant 0 : i32
      %dma_start3A_96 = arith.constant 0 : i32
      %dma_start3A_97 = tpu.memref_slice %arg2[%dma_start3A_95, %dma_start3A_96] : memref<20480x128xf32, #tpu.memory_space<hbm>> -> memref<20480x128xf32, #tpu.memory_space<hbm>>
      tpu.enqueue_indirect_dma source(%dma_start3A_97 : memref<20480x128xf32, #tpu.memory_space<hbm>>) target(%dma_start3A_94 : memref<128x128xf32, #tpu.memory_space<vmem>>) offsets(%arg8 : memref<128xi32, #tpu.memory_space<vmem>>) semaphore(%arg18 : memref<!tpu.dma_semaphore, #tpu.memory_space<semaphore_mem>>)
      %dma_wait3A_98 = arith.constant 0 : i32
      %dma_wait3A_99 = arith.constant 0 : i32
      %dma_wait3A_100 = arith.constant 0 : i32
      %dma_wait3A_101 = tpu.memref_slice %arg11[%dma_wait3A_98, %dma_wait3A_99, %dma_wait3A_100] : memref<2x128x128xf32, #tpu.memory_space<vmem>> -> memref<1x128x128xf32, #tpu.memory_space<vmem>>
      %dma_wait3A_102 = tpu.memref_squeeze %dma_wait3A_101 : memref<1x128x128xf32, #tpu.memory_space<vmem>> -> memref<128x128xf32, #tpu.memory_space<vmem>>
      %dma_wait3A_103 = arith.constant 0 : i32
      %dma_wait3A_104 = arith.constant 0 : i32
      %dma_wait3A_105 = tpu.memref_slice %arg2[%dma_wait3A_103, %dma_wait3A_104] : memref<20480x128xf32, #tpu.memory_space<hbm>> -> memref<20480x128xf32, #tpu.memory_space<hbm>>
      tpu.wait_indirect_dma semaphore(%arg17 : memref<!tpu.dma_semaphore, #tpu.memory_space<semaphore_mem>>) src(%dma_wait3A_105 : memref<20480x128xf32, #tpu.memory_space<hbm>>) dst(%dma_wait3A_102 : memref<128x128xf32, #tpu.memory_space<vmem>>)
      %dma_wait3A_106 = arith.constant 0 : i32
      %dma_wait3A_107 = tpu.memref_slice %arg4[%dma_wait3A_106] : memref<324608xi32, #tpu.memory_space<hbm>> -> memref<128xi32, #tpu.memory_space<hbm>>
      %dma_wait3A_108 = arith.constant 0 : i32
      %dma_wait3A_109 = tpu.memref_slice %arg4[%dma_wait3A_108] : memref<324608xi32, #tpu.memory_space<hbm>> -> memref<128xi32, #tpu.memory_space<hbm>>
      tpu.wait_dma2 semaphore(%arg15 : memref<!tpu.dma_semaphore, #tpu.memory_space<semaphore_mem>>) src(%dma_wait3A_109 : memref<128xi32, #tpu.memory_space<hbm>>) dst(%arg9 : memref<128xi32, #tpu.memory_space<vmem>>)
      %run_scoped3A_110 = arith.constant 0 : i32
      "tpu.region"() ({
        %run_scoped3A_152 = tpu.sem_alloc : memref<!tpu.dma_semaphore, #tpu.memory_space<semaphore_mem>>
        %dma_start3A_153 = arith.constant 0 : i32
        %dma_start3A_154 = arith.constant 0 : i32
        %dma_start3A_155 = tpu.memref_slice %arg11[%run_scoped3A_110, %dma_start3A_153, %dma_start3A_154] : memref<2x128x128xf32, #tpu.memory_space<vmem>> -> memref<1x128x128xf32, #tpu.memory_space<vmem>>
        %dma_start3A_156 = tpu.memref_squeeze %dma_start3A_155 : memref<1x128x128xf32, #tpu.memory_space<vmem>> -> memref<128x128xf32, #tpu.memory_space<vmem>>
        %dma_start3A_157 = arith.constant 0 : i32
        %dma_start3A_158 = arith.constant 0 : i32
        %dma_start3A_159 = tpu.memref_slice %arg12[%dma_start3A_157, %dma_start3A_158] : memref<10240x128xf32, #tpu.memory_space<vmem_shared>> -> memref<10240x128xf32, #tpu.memory_space<vmem_shared>>
        tpu.enqueue_indirect_dma source(%dma_start3A_156 : memref<128x128xf32, #tpu.memory_space<vmem>>) target(%dma_start3A_159 : memref<10240x128xf32, #tpu.memory_space<vmem_shared>>) offsets(%arg9 : memref<128xi32, #tpu.memory_space<vmem>>) semaphore(%run_scoped3A_152 : memref<!tpu.dma_semaphore, #tpu.memory_space<semaphore_mem>>) {add = true}
        %dma_wait3A_160 = arith.constant 0 : i32
        %dma_wait3A_161 = arith.constant 0 : i32
        %dma_wait3A_162 = tpu.memref_slice %arg11[%run_scoped3A_110, %dma_wait3A_160, %dma_wait3A_161] : memref<2x128x128xf32, #tpu.memory_space<vmem>> -> memref<1x128x128xf32, #tpu.memory_space<vmem>>
        %dma_wait3A_163 = tpu.memref_squeeze %dma_wait3A_162 : memref<1x128x128xf32, #tpu.memory_space<vmem>> -> memref<128x128xf32, #tpu.memory_space<vmem>>
        %dma_wait3A_164 = arith.constant 0 : i32
        %dma_wait3A_165 = arith.constant 0 : i32
        %dma_wait3A_166 = tpu.memref_slice %arg12[%dma_wait3A_164, %dma_wait3A_165] : memref<10240x128xf32, #tpu.memory_space<vmem_shared>> -> memref<10240x128xf32, #tpu.memory_space<vmem_shared>>
        tpu.wait_indirect_dma semaphore(%run_scoped3A_152 : memref<!tpu.dma_semaphore, #tpu.memory_space<semaphore_mem>>) src(%dma_wait3A_163 : memref<128x128xf32, #tpu.memory_space<vmem>>) dst(%dma_wait3A_166 : memref<10240x128xf32, #tpu.memory_space<vmem_shared>>)
        tpu.yield
      }) : () -> ()
      %add3A_111 = arith.constant 2 : i32
      %add3A_112 = arith.addi %add3A_69, %add3A_111 : i32
      %add3A_113 = arith.constant 0 : i32
      %add3A_114 = arith.addi %add3A_112, %add3A_113 : i32
      %mul3A_115 = arith.constant 128 : i32
      %mul3A_116 = arith.muli %add3A_114, %mul3A_115 : i32
      %add3A_117 = arith.addi %multiple_of3A, %mul3A_116 : i32
      %multiple_of3A_118 = tpu.assume_multiple %add3A_117, 128 : i32
      %dma_start3A_119 = tpu.memref_slice %arg3[%arg0, %multiple_of3A_118] : memref<2x324608xi32, #tpu.memory_space<hbm>> -> memref<1x128xi32, #tpu.memory_space<hbm>>
      %dma_start3A_120 = tpu.memref_squeeze %dma_start3A_119 : memref<1x128xi32, #tpu.memory_space<hbm>> -> memref<128xi32, #tpu.memory_space<hbm>>
      %dma_start3A_121 = tpu.memref_slice %arg3[%arg0, %multiple_of3A_118] : memref<2x324608xi32, #tpu.memory_space<hbm>> -> memref<1x128xi32, #tpu.memory_space<hbm>>
      %dma_start3A_122 = tpu.memref_squeeze %dma_start3A_121 : memref<1x128xi32, #tpu.memory_space<hbm>> -> memref<128xi32, #tpu.memory_space<hbm>>
      tpu.enqueue_dma source(%dma_start3A_122 : memref<128xi32, #tpu.memory_space<hbm>>) target(%arg7 : memref<128xi32, #tpu.memory_space<vmem>>) target_semaphore(%arg13 : memref<!tpu.dma_semaphore, #tpu.memory_space<semaphore_mem>>)
      %dma_start3A_123 = tpu.memref_slice %arg4[%multiple_of3A_118] : memref<324608xi32, #tpu.memory_space<hbm>> -> memref<128xi32, #tpu.memory_space<hbm>>
      %dma_start3A_124 = tpu.memref_slice %arg4[%multiple_of3A_118] : memref<324608xi32, #tpu.memory_space<hbm>> -> memref<128xi32, #tpu.memory_space<hbm>>
      tpu.enqueue_dma source(%dma_start3A_124 : memref<128xi32, #tpu.memory_space<hbm>>) target(%arg9 : memref<128xi32, #tpu.memory_space<vmem>>) target_semaphore(%arg15 : memref<!tpu.dma_semaphore, #tpu.memory_space<semaphore_mem>>)
      %dma_wait3A_125 = arith.constant 1 : i32
      %dma_wait3A_126 = arith.constant 0 : i32
      %dma_wait3A_127 = arith.constant 0 : i32
      %dma_wait3A_128 = tpu.memref_slice %arg11[%dma_wait3A_125, %dma_wait3A_126, %dma_wait3A_127] : memref<2x128x128xf32, #tpu.memory_space<vmem>> -> memref<1x128x128xf32, #tpu.memory_space<vmem>>
      %dma_wait3A_129 = tpu.memref_squeeze %dma_wait3A_128 : memref<1x128x128xf32, #tpu.memory_space<vmem>> -> memref<128x128xf32, #tpu.memory_space<vmem>>
      %dma_wait3A_130 = arith.constant 0 : i32
      %dma_wait3A_131 = arith.constant 0 : i32
      %dma_wait3A_132 = tpu.memref_slice %arg2[%dma_wait3A_130, %dma_wait3A_131] : memref<20480x128xf32, #tpu.memory_space<hbm>> -> memref<20480x128xf32, #tpu.memory_space<hbm>>
      tpu.wait_indirect_dma semaphore(%arg18 : memref<!tpu.dma_semaphore, #tpu.memory_space<semaphore_mem>>) src(%dma_wait3A_132 : memref<20480x128xf32, #tpu.memory_space<hbm>>) dst(%dma_wait3A_129 : memref<128x128xf32, #tpu.memory_space<vmem>>)
      %dma_wait3A_133 = arith.constant 0 : i32
      %dma_wait3A_134 = tpu.memref_slice %arg4[%dma_wait3A_133] : memref<324608xi32, #tpu.memory_space<hbm>> -> memref<128xi32, #tpu.memory_space<hbm>>
      %dma_wait3A_135 = arith.constant 0 : i32
      %dma_wait3A_136 = tpu.memref_slice %arg4[%dma_wait3A_135] : memref<324608xi32, #tpu.memory_space<hbm>> -> memref<128xi32, #tpu.memory_space<hbm>>
      tpu.wait_dma2 semaphore(%arg16 : memref<!tpu.dma_semaphore, #tpu.memory_space<semaphore_mem>>) src(%dma_wait3A_136 : memref<128xi32, #tpu.memory_space<hbm>>) dst(%arg10 : memref<128xi32, #tpu.memory_space<vmem>>)
      %run_scoped3A_137 = arith.constant 1 : i32
      "tpu.region"() ({
        %run_scoped3A_152 = tpu.sem_alloc : memref<!tpu.dma_semaphore, #tpu.memory_space<semaphore_mem>>
        %dma_start3A_153 = arith.constant 0 : i32
        %dma_start3A_154 = arith.constant 0 : i32
        %dma_start3A_155 = tpu.memref_slice %arg11[%run_scoped3A_137, %dma_start3A_153, %dma_start3A_154] : memref<2x128x128xf32, #tpu.memory_space<vmem>> -> memref<1x128x128xf32, #tpu.memory_space<vmem>>
        %dma_start3A_156 = tpu.memref_squeeze %dma_start3A_155 : memref<1x128x128xf32, #tpu.memory_space<vmem>> -> memref<128x128xf32, #tpu.memory_space<vmem>>
        %dma_start3A_157 = arith.constant 0 : i32
        %dma_start3A_158 = arith.constant 0 : i32
        %dma_start3A_159 = tpu.memref_slice %arg12[%dma_start3A_157, %dma_start3A_158] : memref<10240x128xf32, #tpu.memory_space<vmem_shared>> -> memref<10240x128xf32, #tpu.memory_space<vmem_shared>>
        tpu.enqueue_indirect_dma source(%dma_start3A_156 : memref<128x128xf32, #tpu.memory_space<vmem>>) target(%dma_start3A_159 : memref<10240x128xf32, #tpu.memory_space<vmem_shared>>) offsets(%arg10 : memref<128xi32, #tpu.memory_space<vmem>>) semaphore(%run_scoped3A_152 : memref<!tpu.dma_semaphore, #tpu.memory_space<semaphore_mem>>) {add = true}
        %dma_wait3A_160 = arith.constant 0 : i32
        %dma_wait3A_161 = arith.constant 0 : i32
        %dma_wait3A_162 = tpu.memref_slice %arg11[%run_scoped3A_137, %dma_wait3A_160, %dma_wait3A_161] : memref<2x128x128xf32, #tpu.memory_space<vmem>> -> memref<1x128x128xf32, #tpu.memory_space<vmem>>
        %dma_wait3A_163 = tpu.memref_squeeze %dma_wait3A_162 : memref<1x128x128xf32, #tpu.memory_space<vmem>> -> memref<128x128xf32, #tpu.memory_space<vmem>>
        %dma_wait3A_164 = arith.constant 0 : i32
        %dma_wait3A_165 = arith.constant 0 : i32
        %dma_wait3A_166 = tpu.memref_slice %arg12[%dma_wait3A_164, %dma_wait3A_165] : memref<10240x128xf32, #tpu.memory_space<vmem_shared>> -> memref<10240x128xf32, #tpu.memory_space<vmem_shared>>
        tpu.wait_indirect_dma semaphore(%run_scoped3A_152 : memref<!tpu.dma_semaphore, #tpu.memory_space<semaphore_mem>>) src(%dma_wait3A_163 : memref<128x128xf32, #tpu.memory_space<vmem>>) dst(%dma_wait3A_166 : memref<10240x128xf32, #tpu.memory_space<vmem_shared>>)
        tpu.yield
      }) : () -> ()
      %add3A_138 = arith.constant 2 : i32
      %add3A_139 = arith.addi %add3A_69, %add3A_138 : i32
      %add3A_140 = arith.constant 1 : i32
      %add3A_141 = arith.addi %add3A_139, %add3A_140 : i32
      %mul3A_142 = arith.constant 128 : i32
      %mul3A_143 = arith.muli %add3A_141, %mul3A_142 : i32
      %add3A_144 = arith.addi %multiple_of3A, %mul3A_143 : i32
      %multiple_of3A_145 = tpu.assume_multiple %add3A_144, 128 : i32
      %dma_start3A_146 = tpu.memref_slice %arg3[%arg0, %multiple_of3A_145] : memref<2x324608xi32, #tpu.memory_space<hbm>> -> memref<1x128xi32, #tpu.memory_space<hbm>>
      %dma_start3A_147 = tpu.memref_squeeze %dma_start3A_146 : memref<1x128xi32, #tpu.memory_space<hbm>> -> memref<128xi32, #tpu.memory_space<hbm>>
      %dma_start3A_148 = tpu.memref_slice %arg3[%arg0, %multiple_of3A_145] : memref<2x324608xi32, #tpu.memory_space<hbm>> -> memref<1x128xi32, #tpu.memory_space<hbm>>
      %dma_start3A_149 = tpu.memref_squeeze %dma_start3A_148 : memref<1x128xi32, #tpu.memory_space<hbm>> -> memref<128xi32, #tpu.memory_space<hbm>>
      tpu.enqueue_dma source(%dma_start3A_149 : memref<128xi32, #tpu.memory_space<hbm>>) target(%arg8 : memref<128xi32, #tpu.memory_space<vmem>>) target_semaphore(%arg14 : memref<!tpu.dma_semaphore, #tpu.memory_space<semaphore_mem>>)
      %dma_start3A_150 = tpu.memref_slice %arg4[%multiple_of3A_145] : memref<324608xi32, #tpu.memory_space<hbm>> -> memref<128xi32, #tpu.memory_space<hbm>>
      %dma_start3A_151 = tpu.memref_slice %arg4[%multiple_of3A_145] : memref<324608xi32, #tpu.memory_space<hbm>> -> memref<128xi32, #tpu.memory_space<hbm>>
      tpu.enqueue_dma source(%dma_start3A_151 : memref<128xi32, #tpu.memory_space<hbm>>) target(%arg10 : memref<128xi32, #tpu.memory_space<vmem>>) target_semaphore(%arg16 : memref<!tpu.dma_semaphore, #tpu.memory_space<semaphore_mem>>)
    }
    %scan3A_38 = arith.constant 79 : i32
    %dma_wait3A = arith.constant 0 : i32
    %dma_wait3A_39 = tpu.memref_slice %arg3[%arg0, %dma_wait3A] : memref<2x324608xi32, #tpu.memory_space<hbm>> -> memref<1x128xi32, #tpu.memory_space<hbm>>
    %dma_wait3A_40 = tpu.memref_squeeze %dma_wait3A_39 : memref<1x128xi32, #tpu.memory_space<hbm>> -> memref<128xi32, #tpu.memory_space<hbm>>
    %dma_wait3A_41 = arith.constant 0 : i32
    %dma_wait3A_42 = tpu.memref_slice %arg3[%arg0, %dma_wait3A_41] : memref<2x324608xi32, #tpu.memory_space<hbm>> -> memref<1x128xi32, #tpu.memory_space<hbm>>
    %dma_wait3A_43 = tpu.memref_squeeze %dma_wait3A_42 : memref<1x128xi32, #tpu.memory_space<hbm>> -> memref<128xi32, #tpu.memory_space<hbm>>
    tpu.wait_dma2 semaphore(%arg13 : memref<!tpu.dma_semaphore, #tpu.memory_space<semaphore_mem>>) src(%dma_wait3A_43 : memref<128xi32, #tpu.memory_space<hbm>>) dst(%arg7 : memref<128xi32, #tpu.memory_space<vmem>>)
    %dma_wait3A_44 = arith.constant 0 : i32
    %dma_wait3A_45 = tpu.memref_slice %arg4[%dma_wait3A_44] : memref<324608xi32, #tpu.memory_space<hbm>> -> memref<128xi32, #tpu.memory_space<hbm>>
    %dma_wait3A_46 = arith.constant 0 : i32
    %dma_wait3A_47 = tpu.memref_slice %arg4[%dma_wait3A_46] : memref<324608xi32, #tpu.memory_space<hbm>> -> memref<128xi32, #tpu.memory_space<hbm>>
    tpu.wait_dma2 semaphore(%arg15 : memref<!tpu.dma_semaphore, #tpu.memory_space<semaphore_mem>>) src(%dma_wait3A_47 : memref<128xi32, #tpu.memory_space<hbm>>) dst(%arg9 : memref<128xi32, #tpu.memory_space<vmem>>)
    %dma_wait3A_48 = arith.constant 0 : i32
    %dma_wait3A_49 = tpu.memref_slice %arg3[%arg0, %dma_wait3A_48] : memref<2x324608xi32, #tpu.memory_space<hbm>> -> memref<1x128xi32, #tpu.memory_space<hbm>>
    %dma_wait3A_50 = tpu.memref_squeeze %dma_wait3A_49 : memref<1x128xi32, #tpu.memory_space<hbm>> -> memref<128xi32, #tpu.memory_space<hbm>>
    %dma_wait3A_51 = arith.constant 0 : i32
    %dma_wait3A_52 = tpu.memref_slice %arg3[%arg0, %dma_wait3A_51] : memref<2x324608xi32, #tpu.memory_space<hbm>> -> memref<1x128xi32, #tpu.memory_space<hbm>>
    %dma_wait3A_53 = tpu.memref_squeeze %dma_wait3A_52 : memref<1x128xi32, #tpu.memory_space<hbm>> -> memref<128xi32, #tpu.memory_space<hbm>>
    tpu.wait_dma2 semaphore(%arg14 : memref<!tpu.dma_semaphore, #tpu.memory_space<semaphore_mem>>) src(%dma_wait3A_53 : memref<128xi32, #tpu.memory_space<hbm>>) dst(%arg8 : memref<128xi32, #tpu.memory_space<vmem>>)
    %dma_wait3A_54 = arith.constant 0 : i32
    %dma_wait3A_55 = tpu.memref_slice %arg4[%dma_wait3A_54] : memref<324608xi32, #tpu.memory_space<hbm>> -> memref<128xi32, #tpu.memory_space<hbm>>
    %dma_wait3A_56 = arith.constant 0 : i32
    %dma_wait3A_57 = tpu.memref_slice %arg4[%dma_wait3A_56] : memref<324608xi32, #tpu.memory_space<hbm>> -> memref<128xi32, #tpu.memory_space<hbm>>
    tpu.wait_dma2 semaphore(%arg16 : memref<!tpu.dma_semaphore, #tpu.memory_space<semaphore_mem>>) src(%dma_wait3A_57 : memref<128xi32, #tpu.memory_space<hbm>>) dst(%arg10 : memref<128xi32, #tpu.memory_space<vmem>>)
    %barrier3A_58 = arith.constant 0 : index
    tpu.barrier barrier_id(%barrier3A_58)
    %mul3A_59 = arith.constant 10240 : i32
    %mul3A_60 = arith.muli %arg0, %mul3A_59 : i32
    %mul3A_61 = arith.constant 640 : i32
    %mul3A_62 = arith.muli %arg1, %mul3A_61 : i32
    %add3A_63 = arith.addi %mul3A_60, %mul3A_62 : i32
    %multiple_of3A_64 = tpu.assume_multiple %add3A_63, 128 : i32
    "tpu.region"() ({
      %run_scoped3A_65 = tpu.sem_alloc : memref<!tpu.dma_semaphore, #tpu.memory_space<semaphore_mem>>
      %dma_start3A_66 = arith.constant 0 : i32
      %dma_start3A_67 = tpu.memref_slice %arg6[%multiple_of3A_64, %dma_start3A_66] : memref<20480x128xf32, #tpu.memory_space<hbm>> -> memref<640x128xf32, #tpu.memory_space<hbm>>
      %dma_start3A_68 = arith.constant 0 : i32
      %dma_start3A_69 = tpu.memref_slice %arg12[%multiple_of3A_3, %dma_start3A_68] : memref<10240x128xf32, #tpu.memory_space<vmem_shared>> -> memref<640x128xf32, #tpu.memory_space<vmem_shared>>
      tpu.enqueue_dma source(%dma_start3A_69 : memref<640x128xf32, #tpu.memory_space<vmem_shared>>) target(%dma_start3A_67 : memref<640x128xf32, #tpu.memory_space<hbm>>) target_semaphore(%run_scoped3A_65 : memref<!tpu.dma_semaphore, #tpu.memory_space<semaphore_mem>>)
      %dma_wait3A_70 = arith.constant 0 : i32
      %dma_wait3A_71 = tpu.memref_slice %arg6[%multiple_of3A_64, %dma_wait3A_70] : memref<20480x128xf32, #tpu.memory_space<hbm>> -> memref<640x128xf32, #tpu.memory_space<hbm>>
      %dma_wait3A_72 = arith.constant 0 : i32
      %dma_wait3A_73 = tpu.memref_slice %arg12[%multiple_of3A_3, %dma_wait3A_72] : memref<10240x128xf32, #tpu.memory_space<vmem_shared>> -> memref<640x128xf32, #tpu.memory_space<vmem_shared>>
      tpu.wait_dma2 semaphore(%run_scoped3A_65 : memref<!tpu.dma_semaphore, #tpu.memory_space<semaphore_mem>>) src(%dma_wait3A_73 : memref<640x128xf32, #tpu.memory_space<vmem_shared>>) dst(%dma_wait3A_71 : memref<640x128xf32, #tpu.memory_space<hbm>>)
      tpu.yield
    }) : () -> ()
    return
  }
}

#map = affine_map<(d0, d1) -> (0, 0)>
#map1 = affine_map<(d0, d1) -> (0)>
module attributes {stable_mosaic.version = 14 : i64} {
  func.func @_spmm_kernel_body(%arg0: i32, %arg1: i32, %arg2: memref<20480x128xf32, #tpu.memory_space<hbm>>, %arg3: memref<2x324608xi32, #tpu.memory_space<hbm>>, %arg4: memref<324608xi32, #tpu.memory_space<hbm>>, %arg5: memref<128x128xf32, #tpu.memory_space<hbm>>, %arg6: memref<20480x128xf32, #tpu.memory_space<hbm>>, %arg7: memref<128xi32, #tpu.memory_space<vmem>>, %arg8: memref<128xi32, #tpu.memory_space<vmem>>, %arg9: memref<128xi32, #tpu.memory_space<vmem>>, %arg10: memref<128xi32, #tpu.memory_space<vmem>>, %arg11: memref<2x128x128xf32, #tpu.memory_space<vmem>>, %arg12: memref<10240x128xf32, #tpu.memory_space<vmem_shared>>, %arg13: memref<!tpu.dma_semaphore, #tpu.memory_space<semaphore_mem>>, %arg14: memref<!tpu.dma_semaphore, #tpu.memory_space<semaphore_mem>>, %arg15: memref<!tpu.dma_semaphore, #tpu.memory_space<semaphore_mem>>, %arg16: memref<!tpu.dma_semaphore, #tpu.memory_space<semaphore_mem>>, %arg17: memref<!tpu.dma_semaphore, #tpu.memory_space<semaphore_mem>>, %arg18: memref<!tpu.dma_semaphore, #tpu.memory_space<semaphore_mem>>) attributes {dimension_semantics = [#tpu.dimension_semantics<core_parallel>, #tpu.dimension_semantics<subcore_parallel>], iteration_bounds = array<i64: 2, 16>, scalar_prefetch = 0 : i64, scratch_operands = 12 : i64, tpu.core_type = #tpu.core_type<sc_vector_subcore>, window_params = [{transform_indices = #map}, {transform_indices = #map}, {transform_indices = #map1}, {transform_indices = #map}, {transform_indices = #map}]} {
    %mul3A = arith.constant 20224 : i32
    %mul3A_0 = arith.muli %arg1, %mul3A : i32
    %multiple_of3A = tpu.assume_multiple %mul3A_0, 128 : i32
    %mul3A_1 = arith.constant 640 : i32
    %mul3A_2 = arith.muli %arg1, %mul3A_1 : i32
    %multiple_of3A_3 = tpu.assume_multiple %mul3A_2, 128 : i32
    %run_scoped3A = arith.constant 0 : i32
    "tpu.region"() ({
      %run_scoped3A_65 = tpu.sem_alloc : memref<!tpu.dma_semaphore, #tpu.memory_space<semaphore_mem>>
      %dma_start3A_66 = arith.constant 0 : i32
      %dma_start3A_67 = arith.constant 0 : i32
      %dma_start3A_68 = tpu.memref_slice %arg11[%run_scoped3A, %dma_start3A_66, %dma_start3A_67] : memref<2x128x128xf32, #tpu.memory_space<vmem>> -> memref<1x128x128xf32, #tpu.memory_space<vmem>>
      %dma_start3A_69 = tpu.memref_squeeze %dma_start3A_68 : memref<1x128x128xf32, #tpu.memory_space<vmem>> -> memref<128x128xf32, #tpu.memory_space<vmem>>
      %dma_start3A_70 = arith.constant 0 : i32
      %dma_start3A_71 = arith.constant 0 : i32
      %dma_start3A_72 = tpu.memref_slice %arg11[%run_scoped3A, %dma_start3A_70, %dma_start3A_71] : memref<2x128x128xf32, #tpu.memory_space<vmem>> -> memref<1x128x128xf32, #tpu.memory_space<vmem>>
      %dma_start3A_73 = tpu.memref_squeeze %dma_start3A_72 : memref<1x128x128xf32, #tpu.memory_space<vmem>> -> memref<128x128xf32, #tpu.memory_space<vmem>>
      tpu.enqueue_dma source(%arg5 : memref<128x128xf32, #tpu.memory_space<hbm>>) target(%dma_start3A_73 : memref<128x128xf32, #tpu.memory_space<vmem>>) target_semaphore(%run_scoped3A_65 : memref<!tpu.dma_semaphore, #tpu.memory_space<semaphore_mem>>)
      %dma_wait3A_74 = arith.constant 0 : i32
      %dma_wait3A_75 = arith.constant 0 : i32
      %dma_wait3A_76 = tpu.memref_slice %arg11[%run_scoped3A, %dma_wait3A_74, %dma_wait3A_75] : memref<2x128x128xf32, #tpu.memory_space<vmem>> -> memref<1x128x128xf32, #tpu.memory_space<vmem>>
      %dma_wait3A_77 = tpu.memref_squeeze %dma_wait3A_76 : memref<1x128x128xf32, #tpu.memory_space<vmem>> -> memref<128x128xf32, #tpu.memory_space<vmem>>
      %dma_wait3A_78 = arith.constant 0 : i32
      %dma_wait3A_79 = arith.constant 0 : i32
      %dma_wait3A_80 = tpu.memref_slice %arg11[%run_scoped3A, %dma_wait3A_78, %dma_wait3A_79] : memref<2x128x128xf32, #tpu.memory_space<vmem>> -> memref<1x128x128xf32, #tpu.memory_space<vmem>>
      %dma_wait3A_81 = tpu.memref_squeeze %dma_wait3A_80 : memref<1x128x128xf32, #tpu.memory_space<vmem>> -> memref<128x128xf32, #tpu.memory_space<vmem>>
      tpu.wait_dma2 semaphore(%run_scoped3A_65 : memref<!tpu.dma_semaphore, #tpu.memory_space<semaphore_mem>>) src(%arg5 : memref<128x128xf32, #tpu.memory_space<hbm>>) dst(%dma_wait3A_81 : memref<128x128xf32, #tpu.memory_space<vmem>>)
      tpu.yield
    }) : () -> ()
    %add3A = arith.constant 0 : i32
    %add3A_4 = arith.addi %multiple_of3A_3, %add3A : i32
    %run_scoped3A_5 = arith.constant 0 : i32
    "tpu.region"() ({
      %run_scoped3A_65 = tpu.sem_alloc : memref<!tpu.dma_semaphore, #tpu.memory_space<semaphore_mem>>
      %dma_start3A_66 = arith.constant 0 : i32
      %dma_start3A_67 = arith.constant 0 : i32
      %dma_start3A_68 = tpu.memref_slice %arg11[%run_scoped3A_5, %dma_start3A_66, %dma_start3A_67] : memref<2x128x128xf32, #tpu.memory_space<vmem>> -> memref<1x128x128xf32, #tpu.memory_space<vmem>>
      %dma_start3A_69 = tpu.memref_squeeze %dma_start3A_68 : memref<1x128x128xf32, #tpu.memory_space<vmem>> -> memref<128x128xf32, #tpu.memory_space<vmem>>
      %dma_start3A_70 = arith.constant 0 : i32
      %dma_start3A_71 = tpu.memref_slice %arg12[%add3A_4, %dma_start3A_70] : memref<10240x128xf32, #tpu.memory_space<vmem_shared>> -> memref<128x128xf32, #tpu.memory_space<vmem_shared>>
      %dma_start3A_72 = arith.constant 0 : i32
      %dma_start3A_73 = tpu.memref_slice %arg12[%add3A_4, %dma_start3A_72] : memref<10240x128xf32, #tpu.memory_space<vmem_shared>> -> memref<128x128xf32, #tpu.memory_space<vmem_shared>>
      %dma_start3A_74 = arith.constant 0 : i32
      %dma_start3A_75 = arith.constant 0 : i32
      %dma_start3A_76 = tpu.memref_slice %arg11[%run_scoped3A_5, %dma_start3A_74, %dma_start3A_75] : memref<2x128x128xf32, #tpu.memory_space<vmem>> -> memref<1x128x128xf32, #tpu.memory_space<vmem>>
      %dma_start3A_77 = tpu.memref_squeeze %dma_start3A_76 : memref<1x128x128xf32, #tpu.memory_space<vmem>> -> memref<128x128xf32, #tpu.memory_space<vmem>>
      tpu.enqueue_dma source(%dma_start3A_77 : memref<128x128xf32, #tpu.memory_space<vmem>>) target(%dma_start3A_73 : memref<128x128xf32, #tpu.memory_space<vmem_shared>>) target_semaphore(%run_scoped3A_65 : memref<!tpu.dma_semaphore, #tpu.memory_space<semaphore_mem>>)
      %dma_wait3A_78 = arith.constant 0 : i32
      %dma_wait3A_79 = arith.constant 0 : i32
      %dma_wait3A_80 = tpu.memref_slice %arg11[%run_scoped3A_5, %dma_wait3A_78, %dma_wait3A_79] : memref<2x128x128xf32, #tpu.memory_space<vmem>> -> memref<1x128x128xf32, #tpu.memory_space<vmem>>
      %dma_wait3A_81 = tpu.memref_squeeze %dma_wait3A_80 : memref<1x128x128xf32, #tpu.memory_space<vmem>> -> memref<128x128xf32, #tpu.memory_space<vmem>>
      %dma_wait3A_82 = arith.constant 0 : i32
      %dma_wait3A_83 = tpu.memref_slice %arg12[%add3A_4, %dma_wait3A_82] : memref<10240x128xf32, #tpu.memory_space<vmem_shared>> -> memref<128x128xf32, #tpu.memory_space<vmem_shared>>
      %dma_wait3A_84 = arith.constant 0 : i32
      %dma_wait3A_85 = tpu.memref_slice %arg12[%add3A_4, %dma_wait3A_84] : memref<10240x128xf32, #tpu.memory_space<vmem_shared>> -> memref<128x128xf32, #tpu.memory_space<vmem_shared>>
      %dma_wait3A_86 = arith.constant 0 : i32
      %dma_wait3A_87 = arith.constant 0 : i32
      %dma_wait3A_88 = tpu.memref_slice %arg11[%run_scoped3A_5, %dma_wait3A_86, %dma_wait3A_87] : memref<2x128x128xf32, #tpu.memory_space<vmem>> -> memref<1x128x128xf32, #tpu.memory_space<vmem>>
      %dma_wait3A_89 = tpu.memref_squeeze %dma_wait3A_88 : memref<1x128x128xf32, #tpu.memory_space<vmem>> -> memref<128x128xf32, #tpu.memory_space<vmem>>
      tpu.wait_dma2 semaphore(%run_scoped3A_65 : memref<!tpu.dma_semaphore, #tpu.memory_space<semaphore_mem>>) src(%dma_wait3A_89 : memref<128x128xf32, #tpu.memory_space<vmem>>) dst(%dma_wait3A_85 : memref<128x128xf32, #tpu.memory_space<vmem_shared>>)
      tpu.yield
    }) : () -> ()
    %add3A_6 = arith.constant 128 : i32
    %add3A_7 = arith.addi %multiple_of3A_3, %add3A_6 : i32
    %run_scoped3A_8 = arith.constant 0 : i32
    "tpu.region"() ({
      %run_scoped3A_65 = tpu.sem_alloc : memref<!tpu.dma_semaphore, #tpu.memory_space<semaphore_mem>>
      %dma_start3A_66 = arith.constant 0 : i32
      %dma_start3A_67 = arith.constant 0 : i32
      %dma_start3A_68 = tpu.memref_slice %arg11[%run_scoped3A_8, %dma_start3A_66, %dma_start3A_67] : memref<2x128x128xf32, #tpu.memory_space<vmem>> -> memref<1x128x128xf32, #tpu.memory_space<vmem>>
      %dma_start3A_69 = tpu.memref_squeeze %dma_start3A_68 : memref<1x128x128xf32, #tpu.memory_space<vmem>> -> memref<128x128xf32, #tpu.memory_space<vmem>>
      %dma_start3A_70 = arith.constant 0 : i32
      %dma_start3A_71 = tpu.memref_slice %arg12[%add3A_7, %dma_start3A_70] : memref<10240x128xf32, #tpu.memory_space<vmem_shared>> -> memref<128x128xf32, #tpu.memory_space<vmem_shared>>
      %dma_start3A_72 = arith.constant 0 : i32
      %dma_start3A_73 = tpu.memref_slice %arg12[%add3A_7, %dma_start3A_72] : memref<10240x128xf32, #tpu.memory_space<vmem_shared>> -> memref<128x128xf32, #tpu.memory_space<vmem_shared>>
      %dma_start3A_74 = arith.constant 0 : i32
      %dma_start3A_75 = arith.constant 0 : i32
      %dma_start3A_76 = tpu.memref_slice %arg11[%run_scoped3A_8, %dma_start3A_74, %dma_start3A_75] : memref<2x128x128xf32, #tpu.memory_space<vmem>> -> memref<1x128x128xf32, #tpu.memory_space<vmem>>
      %dma_start3A_77 = tpu.memref_squeeze %dma_start3A_76 : memref<1x128x128xf32, #tpu.memory_space<vmem>> -> memref<128x128xf32, #tpu.memory_space<vmem>>
      tpu.enqueue_dma source(%dma_start3A_77 : memref<128x128xf32, #tpu.memory_space<vmem>>) target(%dma_start3A_73 : memref<128x128xf32, #tpu.memory_space<vmem_shared>>) target_semaphore(%run_scoped3A_65 : memref<!tpu.dma_semaphore, #tpu.memory_space<semaphore_mem>>)
      %dma_wait3A_78 = arith.constant 0 : i32
      %dma_wait3A_79 = arith.constant 0 : i32
      %dma_wait3A_80 = tpu.memref_slice %arg11[%run_scoped3A_8, %dma_wait3A_78, %dma_wait3A_79] : memref<2x128x128xf32, #tpu.memory_space<vmem>> -> memref<1x128x128xf32, #tpu.memory_space<vmem>>
      %dma_wait3A_81 = tpu.memref_squeeze %dma_wait3A_80 : memref<1x128x128xf32, #tpu.memory_space<vmem>> -> memref<128x128xf32, #tpu.memory_space<vmem>>
      %dma_wait3A_82 = arith.constant 0 : i32
      %dma_wait3A_83 = tpu.memref_slice %arg12[%add3A_7, %dma_wait3A_82] : memref<10240x128xf32, #tpu.memory_space<vmem_shared>> -> memref<128x128xf32, #tpu.memory_space<vmem_shared>>
      %dma_wait3A_84 = arith.constant 0 : i32
      %dma_wait3A_85 = tpu.memref_slice %arg12[%add3A_7, %dma_wait3A_84] : memref<10240x128xf32, #tpu.memory_space<vmem_shared>> -> memref<128x128xf32, #tpu.memory_space<vmem_shared>>
      %dma_wait3A_86 = arith.constant 0 : i32
      %dma_wait3A_87 = arith.constant 0 : i32
      %dma_wait3A_88 = tpu.memref_slice %arg11[%run_scoped3A_8, %dma_wait3A_86, %dma_wait3A_87] : memref<2x128x128xf32, #tpu.memory_space<vmem>> -> memref<1x128x128xf32, #tpu.memory_space<vmem>>
      %dma_wait3A_89 = tpu.memref_squeeze %dma_wait3A_88 : memref<1x128x128xf32, #tpu.memory_space<vmem>> -> memref<128x128xf32, #tpu.memory_space<vmem>>
      tpu.wait_dma2 semaphore(%run_scoped3A_65 : memref<!tpu.dma_semaphore, #tpu.memory_space<semaphore_mem>>) src(%dma_wait3A_89 : memref<128x128xf32, #tpu.memory_space<vmem>>) dst(%dma_wait3A_85 : memref<128x128xf32, #tpu.memory_space<vmem_shared>>)
      tpu.yield
    }) : () -> ()
    %add3A_9 = arith.constant 256 : i32
    %add3A_10 = arith.addi %multiple_of3A_3, %add3A_9 : i32
    %run_scoped3A_11 = arith.constant 0 : i32
    "tpu.region"() ({
      %run_scoped3A_65 = tpu.sem_alloc : memref<!tpu.dma_semaphore, #tpu.memory_space<semaphore_mem>>
      %dma_start3A_66 = arith.constant 0 : i32
      %dma_start3A_67 = arith.constant 0 : i32
      %dma_start3A_68 = tpu.memref_slice %arg11[%run_scoped3A_11, %dma_start3A_66, %dma_start3A_67] : memref<2x128x128xf32, #tpu.memory_space<vmem>> -> memref<1x128x128xf32, #tpu.memory_space<vmem>>
      %dma_start3A_69 = tpu.memref_squeeze %dma_start3A_68 : memref<1x128x128xf32, #tpu.memory_space<vmem>> -> memref<128x128xf32, #tpu.memory_space<vmem>>
      %dma_start3A_70 = arith.constant 0 : i32
      %dma_start3A_71 = tpu.memref_slice %arg12[%add3A_10, %dma_start3A_70] : memref<10240x128xf32, #tpu.memory_space<vmem_shared>> -> memref<128x128xf32, #tpu.memory_space<vmem_shared>>
      %dma_start3A_72 = arith.constant 0 : i32
      %dma_start3A_73 = tpu.memref_slice %arg12[%add3A_10, %dma_start3A_72] : memref<10240x128xf32, #tpu.memory_space<vmem_shared>> -> memref<128x128xf32, #tpu.memory_space<vmem_shared>>
      %dma_start3A_74 = arith.constant 0 : i32
      %dma_start3A_75 = arith.constant 0 : i32
      %dma_start3A_76 = tpu.memref_slice %arg11[%run_scoped3A_11, %dma_start3A_74, %dma_start3A_75] : memref<2x128x128xf32, #tpu.memory_space<vmem>> -> memref<1x128x128xf32, #tpu.memory_space<vmem>>
      %dma_start3A_77 = tpu.memref_squeeze %dma_start3A_76 : memref<1x128x128xf32, #tpu.memory_space<vmem>> -> memref<128x128xf32, #tpu.memory_space<vmem>>
      tpu.enqueue_dma source(%dma_start3A_77 : memref<128x128xf32, #tpu.memory_space<vmem>>) target(%dma_start3A_73 : memref<128x128xf32, #tpu.memory_space<vmem_shared>>) target_semaphore(%run_scoped3A_65 : memref<!tpu.dma_semaphore, #tpu.memory_space<semaphore_mem>>)
      %dma_wait3A_78 = arith.constant 0 : i32
      %dma_wait3A_79 = arith.constant 0 : i32
      %dma_wait3A_80 = tpu.memref_slice %arg11[%run_scoped3A_11, %dma_wait3A_78, %dma_wait3A_79] : memref<2x128x128xf32, #tpu.memory_space<vmem>> -> memref<1x128x128xf32, #tpu.memory_space<vmem>>
      %dma_wait3A_81 = tpu.memref_squeeze %dma_wait3A_80 : memref<1x128x128xf32, #tpu.memory_space<vmem>> -> memref<128x128xf32, #tpu.memory_space<vmem>>
      %dma_wait3A_82 = arith.constant 0 : i32
      %dma_wait3A_83 = tpu.memref_slice %arg12[%add3A_10, %dma_wait3A_82] : memref<10240x128xf32, #tpu.memory_space<vmem_shared>> -> memref<128x128xf32, #tpu.memory_space<vmem_shared>>
      %dma_wait3A_84 = arith.constant 0 : i32
      %dma_wait3A_85 = tpu.memref_slice %arg12[%add3A_10, %dma_wait3A_84] : memref<10240x128xf32, #tpu.memory_space<vmem_shared>> -> memref<128x128xf32, #tpu.memory_space<vmem_shared>>
      %dma_wait3A_86 = arith.constant 0 : i32
      %dma_wait3A_87 = arith.constant 0 : i32
      %dma_wait3A_88 = tpu.memref_slice %arg11[%run_scoped3A_11, %dma_wait3A_86, %dma_wait3A_87] : memref<2x128x128xf32, #tpu.memory_space<vmem>> -> memref<1x128x128xf32, #tpu.memory_space<vmem>>
      %dma_wait3A_89 = tpu.memref_squeeze %dma_wait3A_88 : memref<1x128x128xf32, #tpu.memory_space<vmem>> -> memref<128x128xf32, #tpu.memory_space<vmem>>
      tpu.wait_dma2 semaphore(%run_scoped3A_65 : memref<!tpu.dma_semaphore, #tpu.memory_space<semaphore_mem>>) src(%dma_wait3A_89 : memref<128x128xf32, #tpu.memory_space<vmem>>) dst(%dma_wait3A_85 : memref<128x128xf32, #tpu.memory_space<vmem_shared>>)
      tpu.yield
    }) : () -> ()
    %add3A_12 = arith.constant 384 : i32
    %add3A_13 = arith.addi %multiple_of3A_3, %add3A_12 : i32
    %run_scoped3A_14 = arith.constant 0 : i32
    "tpu.region"() ({
      %run_scoped3A_65 = tpu.sem_alloc : memref<!tpu.dma_semaphore, #tpu.memory_space<semaphore_mem>>
      %dma_start3A_66 = arith.constant 0 : i32
      %dma_start3A_67 = arith.constant 0 : i32
      %dma_start3A_68 = tpu.memref_slice %arg11[%run_scoped3A_14, %dma_start3A_66, %dma_start3A_67] : memref<2x128x128xf32, #tpu.memory_space<vmem>> -> memref<1x128x128xf32, #tpu.memory_space<vmem>>
      %dma_start3A_69 = tpu.memref_squeeze %dma_start3A_68 : memref<1x128x128xf32, #tpu.memory_space<vmem>> -> memref<128x128xf32, #tpu.memory_space<vmem>>
      %dma_start3A_70 = arith.constant 0 : i32
      %dma_start3A_71 = tpu.memref_slice %arg12[%add3A_13, %dma_start3A_70] : memref<10240x128xf32, #tpu.memory_space<vmem_shared>> -> memref<128x128xf32, #tpu.memory_space<vmem_shared>>
      %dma_start3A_72 = arith.constant 0 : i32
      %dma_start3A_73 = tpu.memref_slice %arg12[%add3A_13, %dma_start3A_72] : memref<10240x128xf32, #tpu.memory_space<vmem_shared>> -> memref<128x128xf32, #tpu.memory_space<vmem_shared>>
      %dma_start3A_74 = arith.constant 0 : i32
      %dma_start3A_75 = arith.constant 0 : i32
      %dma_start3A_76 = tpu.memref_slice %arg11[%run_scoped3A_14, %dma_start3A_74, %dma_start3A_75] : memref<2x128x128xf32, #tpu.memory_space<vmem>> -> memref<1x128x128xf32, #tpu.memory_space<vmem>>
      %dma_start3A_77 = tpu.memref_squeeze %dma_start3A_76 : memref<1x128x128xf32, #tpu.memory_space<vmem>> -> memref<128x128xf32, #tpu.memory_space<vmem>>
      tpu.enqueue_dma source(%dma_start3A_77 : memref<128x128xf32, #tpu.memory_space<vmem>>) target(%dma_start3A_73 : memref<128x128xf32, #tpu.memory_space<vmem_shared>>) target_semaphore(%run_scoped3A_65 : memref<!tpu.dma_semaphore, #tpu.memory_space<semaphore_mem>>)
      %dma_wait3A_78 = arith.constant 0 : i32
      %dma_wait3A_79 = arith.constant 0 : i32
      %dma_wait3A_80 = tpu.memref_slice %arg11[%run_scoped3A_14, %dma_wait3A_78, %dma_wait3A_79] : memref<2x128x128xf32, #tpu.memory_space<vmem>> -> memref<1x128x128xf32, #tpu.memory_space<vmem>>
      %dma_wait3A_81 = tpu.memref_squeeze %dma_wait3A_80 : memref<1x128x128xf32, #tpu.memory_space<vmem>> -> memref<128x128xf32, #tpu.memory_space<vmem>>
      %dma_wait3A_82 = arith.constant 0 : i32
      %dma_wait3A_83 = tpu.memref_slice %arg12[%add3A_13, %dma_wait3A_82] : memref<10240x128xf32, #tpu.memory_space<vmem_shared>> -> memref<128x128xf32, #tpu.memory_space<vmem_shared>>
      %dma_wait3A_84 = arith.constant 0 : i32
      %dma_wait3A_85 = tpu.memref_slice %arg12[%add3A_13, %dma_wait3A_84] : memref<10240x128xf32, #tpu.memory_space<vmem_shared>> -> memref<128x128xf32, #tpu.memory_space<vmem_shared>>
      %dma_wait3A_86 = arith.constant 0 : i32
      %dma_wait3A_87 = arith.constant 0 : i32
      %dma_wait3A_88 = tpu.memref_slice %arg11[%run_scoped3A_14, %dma_wait3A_86, %dma_wait3A_87] : memref<2x128x128xf32, #tpu.memory_space<vmem>> -> memref<1x128x128xf32, #tpu.memory_space<vmem>>
      %dma_wait3A_89 = tpu.memref_squeeze %dma_wait3A_88 : memref<1x128x128xf32, #tpu.memory_space<vmem>> -> memref<128x128xf32, #tpu.memory_space<vmem>>
      tpu.wait_dma2 semaphore(%run_scoped3A_65 : memref<!tpu.dma_semaphore, #tpu.memory_space<semaphore_mem>>) src(%dma_wait3A_89 : memref<128x128xf32, #tpu.memory_space<vmem>>) dst(%dma_wait3A_85 : memref<128x128xf32, #tpu.memory_space<vmem_shared>>)
      tpu.yield
    }) : () -> ()
    %add3A_15 = arith.constant 512 : i32
    %add3A_16 = arith.addi %multiple_of3A_3, %add3A_15 : i32
    %run_scoped3A_17 = arith.constant 0 : i32
    "tpu.region"() ({
      %run_scoped3A_65 = tpu.sem_alloc : memref<!tpu.dma_semaphore, #tpu.memory_space<semaphore_mem>>
      %dma_start3A_66 = arith.constant 0 : i32
      %dma_start3A_67 = arith.constant 0 : i32
      %dma_start3A_68 = tpu.memref_slice %arg11[%run_scoped3A_17, %dma_start3A_66, %dma_start3A_67] : memref<2x128x128xf32, #tpu.memory_space<vmem>> -> memref<1x128x128xf32, #tpu.memory_space<vmem>>
      %dma_start3A_69 = tpu.memref_squeeze %dma_start3A_68 : memref<1x128x128xf32, #tpu.memory_space<vmem>> -> memref<128x128xf32, #tpu.memory_space<vmem>>
      %dma_start3A_70 = arith.constant 0 : i32
      %dma_start3A_71 = tpu.memref_slice %arg12[%add3A_16, %dma_start3A_70] : memref<10240x128xf32, #tpu.memory_space<vmem_shared>> -> memref<128x128xf32, #tpu.memory_space<vmem_shared>>
      %dma_start3A_72 = arith.constant 0 : i32
      %dma_start3A_73 = tpu.memref_slice %arg12[%add3A_16, %dma_start3A_72] : memref<10240x128xf32, #tpu.memory_space<vmem_shared>> -> memref<128x128xf32, #tpu.memory_space<vmem_shared>>
      %dma_start3A_74 = arith.constant 0 : i32
      %dma_start3A_75 = arith.constant 0 : i32
      %dma_start3A_76 = tpu.memref_slice %arg11[%run_scoped3A_17, %dma_start3A_74, %dma_start3A_75] : memref<2x128x128xf32, #tpu.memory_space<vmem>> -> memref<1x128x128xf32, #tpu.memory_space<vmem>>
      %dma_start3A_77 = tpu.memref_squeeze %dma_start3A_76 : memref<1x128x128xf32, #tpu.memory_space<vmem>> -> memref<128x128xf32, #tpu.memory_space<vmem>>
      tpu.enqueue_dma source(%dma_start3A_77 : memref<128x128xf32, #tpu.memory_space<vmem>>) target(%dma_start3A_73 : memref<128x128xf32, #tpu.memory_space<vmem_shared>>) target_semaphore(%run_scoped3A_65 : memref<!tpu.dma_semaphore, #tpu.memory_space<semaphore_mem>>)
      %dma_wait3A_78 = arith.constant 0 : i32
      %dma_wait3A_79 = arith.constant 0 : i32
      %dma_wait3A_80 = tpu.memref_slice %arg11[%run_scoped3A_17, %dma_wait3A_78, %dma_wait3A_79] : memref<2x128x128xf32, #tpu.memory_space<vmem>> -> memref<1x128x128xf32, #tpu.memory_space<vmem>>
      %dma_wait3A_81 = tpu.memref_squeeze %dma_wait3A_80 : memref<1x128x128xf32, #tpu.memory_space<vmem>> -> memref<128x128xf32, #tpu.memory_space<vmem>>
      %dma_wait3A_82 = arith.constant 0 : i32
      %dma_wait3A_83 = tpu.memref_slice %arg12[%add3A_16, %dma_wait3A_82] : memref<10240x128xf32, #tpu.memory_space<vmem_shared>> -> memref<128x128xf32, #tpu.memory_space<vmem_shared>>
      %dma_wait3A_84 = arith.constant 0 : i32
      %dma_wait3A_85 = tpu.memref_slice %arg12[%add3A_16, %dma_wait3A_84] : memref<10240x128xf32, #tpu.memory_space<vmem_shared>> -> memref<128x128xf32, #tpu.memory_space<vmem_shared>>
      %dma_wait3A_86 = arith.constant 0 : i32
      %dma_wait3A_87 = arith.constant 0 : i32
      %dma_wait3A_88 = tpu.memref_slice %arg11[%run_scoped3A_17, %dma_wait3A_86, %dma_wait3A_87] : memref<2x128x128xf32, #tpu.memory_space<vmem>> -> memref<1x128x128xf32, #tpu.memory_space<vmem>>
      %dma_wait3A_89 = tpu.memref_squeeze %dma_wait3A_88 : memref<1x128x128xf32, #tpu.memory_space<vmem>> -> memref<128x128xf32, #tpu.memory_space<vmem>>
      tpu.wait_dma2 semaphore(%run_scoped3A_65 : memref<!tpu.dma_semaphore, #tpu.memory_space<semaphore_mem>>) src(%dma_wait3A_89 : memref<128x128xf32, #tpu.memory_space<vmem>>) dst(%dma_wait3A_85 : memref<128x128xf32, #tpu.memory_space<vmem_shared>>)
      tpu.yield
    }) : () -> ()
    %add3A_18 = arith.constant 0 : i32
    %add3A_19 = arith.addi %multiple_of3A, %add3A_18 : i32
    %multiple_of3A_20 = tpu.assume_multiple %add3A_19, 128 : i32
    %dma_start3A = tpu.memref_slice %arg3[%arg0, %multiple_of3A_20] : memref<2x324608xi32, #tpu.memory_space<hbm>> -> memref<1x128xi32, #tpu.memory_space<hbm>>
    %dma_start3A_21 = tpu.memref_squeeze %dma_start3A : memref<1x128xi32, #tpu.memory_space<hbm>> -> memref<128xi32, #tpu.memory_space<hbm>>
    %dma_start3A_22 = tpu.memref_slice %arg3[%arg0, %multiple_of3A_20] : memref<2x324608xi32, #tpu.memory_space<hbm>> -> memref<1x128xi32, #tpu.memory_space<hbm>>
    %dma_start3A_23 = tpu.memref_squeeze %dma_start3A_22 : memref<1x128xi32, #tpu.memory_space<hbm>> -> memref<128xi32, #tpu.memory_space<hbm>>
    tpu.enqueue_dma source(%dma_start3A_23 : memref<128xi32, #tpu.memory_space<hbm>>) target(%arg7 : memref<128xi32, #tpu.memory_space<vmem>>) target_semaphore(%arg13 : memref<!tpu.dma_semaphore, #tpu.memory_space<semaphore_mem>>)
    %dma_start3A_24 = tpu.memref_slice %arg4[%multiple_of3A_20] : memref<324608xi32, #tpu.memory_space<hbm>> -> memref<128xi32, #tpu.memory_space<hbm>>
    %dma_start3A_25 = tpu.memref_slice %arg4[%multiple_of3A_20] : memref<324608xi32, #tpu.memory_space<hbm>> -> memref<128xi32, #tpu.memory_space<hbm>>
    tpu.enqueue_dma source(%dma_start3A_25 : memref<128xi32, #tpu.memory_space<hbm>>) target(%arg9 : memref<128xi32, #tpu.memory_space<vmem>>) target_semaphore(%arg15 : memref<!tpu.dma_semaphore, #tpu.memory_space<semaphore_mem>>)
    %add3A_26 = arith.constant 128 : i32
    %add3A_27 = arith.addi %multiple_of3A, %add3A_26 : i32
    %multiple_of3A_28 = tpu.assume_multiple %add3A_27, 128 : i32
    %dma_start3A_29 = tpu.memref_slice %arg3[%arg0, %multiple_of3A_28] : memref<2x324608xi32, #tpu.memory_space<hbm>> -> memref<1x128xi32, #tpu.memory_space<hbm>>
    %dma_start3A_30 = tpu.memref_squeeze %dma_start3A_29 : memref<1x128xi32, #tpu.memory_space<hbm>> -> memref<128xi32, #tpu.memory_space<hbm>>
    %dma_start3A_31 = tpu.memref_slice %arg3[%arg0, %multiple_of3A_28] : memref<2x324608xi32, #tpu.memory_space<hbm>> -> memref<1x128xi32, #tpu.memory_space<hbm>>
    %dma_start3A_32 = tpu.memref_squeeze %dma_start3A_31 : memref<1x128xi32, #tpu.memory_space<hbm>> -> memref<128xi32, #tpu.memory_space<hbm>>
    tpu.enqueue_dma source(%dma_start3A_32 : memref<128xi32, #tpu.memory_space<hbm>>) target(%arg8 : memref<128xi32, #tpu.memory_space<vmem>>) target_semaphore(%arg14 : memref<!tpu.dma_semaphore, #tpu.memory_space<semaphore_mem>>)
    %dma_start3A_33 = tpu.memref_slice %arg4[%multiple_of3A_28] : memref<324608xi32, #tpu.memory_space<hbm>> -> memref<128xi32, #tpu.memory_space<hbm>>
    %dma_start3A_34 = tpu.memref_slice %arg4[%multiple_of3A_28] : memref<324608xi32, #tpu.memory_space<hbm>> -> memref<128xi32, #tpu.memory_space<hbm>>
    tpu.enqueue_dma source(%dma_start3A_34 : memref<128xi32, #tpu.memory_space<hbm>>) target(%arg10 : memref<128xi32, #tpu.memory_space<vmem>>) target_semaphore(%arg16 : memref<!tpu.dma_semaphore, #tpu.memory_space<semaphore_mem>>)
    %barrier3A = arith.constant 0 : index
    tpu.barrier barrier_id(%barrier3A)
    %scan3A = arith.constant 0 : i32
    %scan3A_35 = arith.constant 79 : i32
    %scan3A_36 = arith.addi %scan3A, %scan3A_35 : i32
    %scan3A_37 = arith.constant 1 : i32
    scf.for %scan3A_65 = %scan3A to %scan3A_36 step %scan3A_37  : i32 {
      %mul3A_66 = arith.constant 2 : i32
      %mul3A_67 = arith.muli %scan3A_65, %mul3A_66 : i32
      %add3A_68 = arith.constant 0 : i32
      %add3A_69 = arith.addi %add3A_68, %mul3A_67 : i32
      %dma_wait3A_70 = arith.constant 0 : i32
      %dma_wait3A_71 = tpu.memref_slice %arg3[%arg0, %dma_wait3A_70] : memref<2x324608xi32, #tpu.memory_space<hbm>> -> memref<1x128xi32, #tpu.memory_space<hbm>>
      %dma_wait3A_72 = tpu.memref_squeeze %dma_wait3A_71 : memref<1x128xi32, #tpu.memory_space<hbm>> -> memref<128xi32, #tpu.memory_space<hbm>>
      %dma_wait3A_73 = arith.constant 0 : i32
      %dma_wait3A_74 = tpu.memref_slice %arg3[%arg0, %dma_wait3A_73] : memref<2x324608xi32, #tpu.memory_space<hbm>> -> memref<1x128xi32, #tpu.memory_space<hbm>>
      %dma_wait3A_75 = tpu.memref_squeeze %dma_wait3A_74 : memref<1x128xi32, #tpu.memory_space<hbm>> -> memref<128xi32, #tpu.memory_space<hbm>>
      tpu.wait_dma2 semaphore(%arg13 : memref<!tpu.dma_semaphore, #tpu.memory_space<semaphore_mem>>) src(%dma_wait3A_75 : memref<128xi32, #tpu.memory_space<hbm>>) dst(%arg7 : memref<128xi32, #tpu.memory_space<vmem>>)
      %dma_start3A_76 = arith.constant 0 : i32
      %dma_start3A_77 = arith.constant 0 : i32
      %dma_start3A_78 = arith.constant 0 : i32
      %dma_start3A_79 = tpu.memref_slice %arg11[%dma_start3A_76, %dma_start3A_77, %dma_start3A_78] : memref<2x128x128xf32, #tpu.memory_space<vmem>> -> memref<1x128x128xf32, #tpu.memory_space<vmem>>
      %dma_start3A_80 = tpu.memref_squeeze %dma_start3A_79 : memref<1x128x128xf32, #tpu.memory_space<vmem>> -> memref<128x128xf32, #tpu.memory_space<vmem>>
      %dma_start3A_81 = arith.constant 0 : i32
      %dma_start3A_82 = arith.constant 0 : i32
      %dma_start3A_83 = tpu.memref_slice %arg2[%dma_start3A_81, %dma_start3A_82] : memref<20480x128xf32, #tpu.memory_space<hbm>> -> memref<20480x128xf32, #tpu.memory_space<hbm>>
      tpu.enqueue_indirect_dma source(%dma_start3A_83 : memref<20480x128xf32, #tpu.memory_space<hbm>>) target(%dma_start3A_80 : memref<128x128xf32, #tpu.memory_space<vmem>>) offsets(%arg7 : memref<128xi32, #tpu.memory_space<vmem>>) semaphore(%arg17 : memref<!tpu.dma_semaphore, #tpu.memory_space<semaphore_mem>>)
      %dma_wait3A_84 = arith.constant 0 : i32
      %dma_wait3A_85 = tpu.memref_slice %arg3[%arg0, %dma_wait3A_84] : memref<2x324608xi32, #tpu.memory_space<hbm>> -> memref<1x128xi32, #tpu.memory_space<hbm>>
      %dma_wait3A_86 = tpu.memref_squeeze %dma_wait3A_85 : memref<1x128xi32, #tpu.memory_space<hbm>> -> memref<128xi32, #tpu.memory_space<hbm>>
      %dma_wait3A_87 = arith.constant 0 : i32
      %dma_wait3A_88 = tpu.memref_slice %arg3[%arg0, %dma_wait3A_87] : memref<2x324608xi32, #tpu.memory_space<hbm>> -> memref<1x128xi32, #tpu.memory_space<hbm>>
      %dma_wait3A_89 = tpu.memref_squeeze %dma_wait3A_88 : memref<1x128xi32, #tpu.memory_space<hbm>> -> memref<128xi32, #tpu.memory_space<hbm>>
      tpu.wait_dma2 semaphore(%arg14 : memref<!tpu.dma_semaphore, #tpu.memory_space<semaphore_mem>>) src(%dma_wait3A_89 : memref<128xi32, #tpu.memory_space<hbm>>) dst(%arg8 : memref<128xi32, #tpu.memory_space<vmem>>)
      %dma_start3A_90 = arith.constant 1 : i32
      %dma_start3A_91 = arith.constant 0 : i32
      %dma_start3A_92 = arith.constant 0 : i32
      %dma_start3A_93 = tpu.memref_slice %arg11[%dma_start3A_90, %dma_start3A_91, %dma_start3A_92] : memref<2x128x128xf32, #tpu.memory_space<vmem>> -> memref<1x128x128xf32, #tpu.memory_space<vmem>>
      %dma_start3A_94 = tpu.memref_squeeze %dma_start3A_93 : memref<1x128x128xf32, #tpu.memory_space<vmem>> -> memref<128x128xf32, #tpu.memory_space<vmem>>
      %dma_start3A_95 = arith.constant 0 : i32
      %dma_start3A_96 = arith.constant 0 : i32
      %dma_start3A_97 = tpu.memref_slice %arg2[%dma_start3A_95, %dma_start3A_96] : memref<20480x128xf32, #tpu.memory_space<hbm>> -> memref<20480x128xf32, #tpu.memory_space<hbm>>
      tpu.enqueue_indirect_dma source(%dma_start3A_97 : memref<20480x128xf32, #tpu.memory_space<hbm>>) target(%dma_start3A_94 : memref<128x128xf32, #tpu.memory_space<vmem>>) offsets(%arg8 : memref<128xi32, #tpu.memory_space<vmem>>) semaphore(%arg18 : memref<!tpu.dma_semaphore, #tpu.memory_space<semaphore_mem>>)
      %dma_wait3A_98 = arith.constant 0 : i32
      %dma_wait3A_99 = arith.constant 0 : i32
      %dma_wait3A_100 = arith.constant 0 : i32
      %dma_wait3A_101 = tpu.memref_slice %arg11[%dma_wait3A_98, %dma_wait3A_99, %dma_wait3A_100] : memref<2x128x128xf32, #tpu.memory_space<vmem>> -> memref<1x128x128xf32, #tpu.memory_space<vmem>>
      %dma_wait3A_102 = tpu.memref_squeeze %dma_wait3A_101 : memref<1x128x128xf32, #tpu.memory_space<vmem>> -> memref<128x128xf32, #tpu.memory_space<vmem>>
      %dma_wait3A_103 = arith.constant 0 : i32
      %dma_wait3A_104 = arith.constant 0 : i32
      %dma_wait3A_105 = tpu.memref_slice %arg2[%dma_wait3A_103, %dma_wait3A_104] : memref<20480x128xf32, #tpu.memory_space<hbm>> -> memref<20480x128xf32, #tpu.memory_space<hbm>>
      tpu.wait_indirect_dma semaphore(%arg17 : memref<!tpu.dma_semaphore, #tpu.memory_space<semaphore_mem>>) src(%dma_wait3A_105 : memref<20480x128xf32, #tpu.memory_space<hbm>>) dst(%dma_wait3A_102 : memref<128x128xf32, #tpu.memory_space<vmem>>)
      %dma_wait3A_106 = arith.constant 0 : i32
      %dma_wait3A_107 = tpu.memref_slice %arg4[%dma_wait3A_106] : memref<324608xi32, #tpu.memory_space<hbm>> -> memref<128xi32, #tpu.memory_space<hbm>>
      %dma_wait3A_108 = arith.constant 0 : i32
      %dma_wait3A_109 = tpu.memref_slice %arg4[%dma_wait3A_108] : memref<324608xi32, #tpu.memory_space<hbm>> -> memref<128xi32, #tpu.memory_space<hbm>>
      tpu.wait_dma2 semaphore(%arg15 : memref<!tpu.dma_semaphore, #tpu.memory_space<semaphore_mem>>) src(%dma_wait3A_109 : memref<128xi32, #tpu.memory_space<hbm>>) dst(%arg9 : memref<128xi32, #tpu.memory_space<vmem>>)
      %run_scoped3A_110 = arith.constant 0 : i32
      "tpu.region"() ({
        %run_scoped3A_152 = tpu.sem_alloc : memref<!tpu.dma_semaphore, #tpu.memory_space<semaphore_mem>>
        %dma_start3A_153 = arith.constant 0 : i32
        %dma_start3A_154 = arith.constant 0 : i32
        %dma_start3A_155 = tpu.memref_slice %arg11[%run_scoped3A_110, %dma_start3A_153, %dma_start3A_154] : memref<2x128x128xf32, #tpu.memory_space<vmem>> -> memref<1x128x128xf32, #tpu.memory_space<vmem>>
        %dma_start3A_156 = tpu.memref_squeeze %dma_start3A_155 : memref<1x128x128xf32, #tpu.memory_space<vmem>> -> memref<128x128xf32, #tpu.memory_space<vmem>>
        %dma_start3A_157 = arith.constant 0 : i32
        %dma_start3A_158 = arith.constant 0 : i32
        %dma_start3A_159 = tpu.memref_slice %arg12[%dma_start3A_157, %dma_start3A_158] : memref<10240x128xf32, #tpu.memory_space<vmem_shared>> -> memref<10240x128xf32, #tpu.memory_space<vmem_shared>>
        tpu.enqueue_indirect_dma source(%dma_start3A_156 : memref<128x128xf32, #tpu.memory_space<vmem>>) target(%dma_start3A_159 : memref<10240x128xf32, #tpu.memory_space<vmem_shared>>) offsets(%arg9 : memref<128xi32, #tpu.memory_space<vmem>>) semaphore(%run_scoped3A_152 : memref<!tpu.dma_semaphore, #tpu.memory_space<semaphore_mem>>) {add = true}
        %dma_wait3A_160 = arith.constant 0 : i32
        %dma_wait3A_161 = arith.constant 0 : i32
        %dma_wait3A_162 = tpu.memref_slice %arg11[%run_scoped3A_110, %dma_wait3A_160, %dma_wait3A_161] : memref<2x128x128xf32, #tpu.memory_space<vmem>> -> memref<1x128x128xf32, #tpu.memory_space<vmem>>
        %dma_wait3A_163 = tpu.memref_squeeze %dma_wait3A_162 : memref<1x128x128xf32, #tpu.memory_space<vmem>> -> memref<128x128xf32, #tpu.memory_space<vmem>>
        %dma_wait3A_164 = arith.constant 0 : i32
        %dma_wait3A_165 = arith.constant 0 : i32
        %dma_wait3A_166 = tpu.memref_slice %arg12[%dma_wait3A_164, %dma_wait3A_165] : memref<10240x128xf32, #tpu.memory_space<vmem_shared>> -> memref<10240x128xf32, #tpu.memory_space<vmem_shared>>
        tpu.wait_indirect_dma semaphore(%run_scoped3A_152 : memref<!tpu.dma_semaphore, #tpu.memory_space<semaphore_mem>>) src(%dma_wait3A_163 : memref<128x128xf32, #tpu.memory_space<vmem>>) dst(%dma_wait3A_166 : memref<10240x128xf32, #tpu.memory_space<vmem_shared>>)
        tpu.yield
      }) : () -> ()
      %add3A_111 = arith.constant 2 : i32
      %add3A_112 = arith.addi %add3A_69, %add3A_111 : i32
      %add3A_113 = arith.constant 0 : i32
      %add3A_114 = arith.addi %add3A_112, %add3A_113 : i32
      %mul3A_115 = arith.constant 128 : i32
      %mul3A_116 = arith.muli %add3A_114, %mul3A_115 : i32
      %add3A_117 = arith.addi %multiple_of3A, %mul3A_116 : i32
      %multiple_of3A_118 = tpu.assume_multiple %add3A_117, 128 : i32
      %dma_start3A_119 = tpu.memref_slice %arg3[%arg0, %multiple_of3A_118] : memref<2x324608xi32, #tpu.memory_space<hbm>> -> memref<1x128xi32, #tpu.memory_space<hbm>>
      %dma_start3A_120 = tpu.memref_squeeze %dma_start3A_119 : memref<1x128xi32, #tpu.memory_space<hbm>> -> memref<128xi32, #tpu.memory_space<hbm>>
      %dma_start3A_121 = tpu.memref_slice %arg3[%arg0, %multiple_of3A_118] : memref<2x324608xi32, #tpu.memory_space<hbm>> -> memref<1x128xi32, #tpu.memory_space<hbm>>
      %dma_start3A_122 = tpu.memref_squeeze %dma_start3A_121 : memref<1x128xi32, #tpu.memory_space<hbm>> -> memref<128xi32, #tpu.memory_space<hbm>>
      tpu.enqueue_dma source(%dma_start3A_122 : memref<128xi32, #tpu.memory_space<hbm>>) target(%arg7 : memref<128xi32, #tpu.memory_space<vmem>>) target_semaphore(%arg13 : memref<!tpu.dma_semaphore, #tpu.memory_space<semaphore_mem>>)
      %dma_start3A_123 = tpu.memref_slice %arg4[%multiple_of3A_118] : memref<324608xi32, #tpu.memory_space<hbm>> -> memref<128xi32, #tpu.memory_space<hbm>>
      %dma_start3A_124 = tpu.memref_slice %arg4[%multiple_of3A_118] : memref<324608xi32, #tpu.memory_space<hbm>> -> memref<128xi32, #tpu.memory_space<hbm>>
      tpu.enqueue_dma source(%dma_start3A_124 : memref<128xi32, #tpu.memory_space<hbm>>) target(%arg9 : memref<128xi32, #tpu.memory_space<vmem>>) target_semaphore(%arg15 : memref<!tpu.dma_semaphore, #tpu.memory_space<semaphore_mem>>)
      %dma_wait3A_125 = arith.constant 1 : i32
      %dma_wait3A_126 = arith.constant 0 : i32
      %dma_wait3A_127 = arith.constant 0 : i32
      %dma_wait3A_128 = tpu.memref_slice %arg11[%dma_wait3A_125, %dma_wait3A_126, %dma_wait3A_127] : memref<2x128x128xf32, #tpu.memory_space<vmem>> -> memref<1x128x128xf32, #tpu.memory_space<vmem>>
      %dma_wait3A_129 = tpu.memref_squeeze %dma_wait3A_128 : memref<1x128x128xf32, #tpu.memory_space<vmem>> -> memref<128x128xf32, #tpu.memory_space<vmem>>
      %dma_wait3A_130 = arith.constant 0 : i32
      %dma_wait3A_131 = arith.constant 0 : i32
      %dma_wait3A_132 = tpu.memref_slice %arg2[%dma_wait3A_130, %dma_wait3A_131] : memref<20480x128xf32, #tpu.memory_space<hbm>> -> memref<20480x128xf32, #tpu.memory_space<hbm>>
      tpu.wait_indirect_dma semaphore(%arg18 : memref<!tpu.dma_semaphore, #tpu.memory_space<semaphore_mem>>) src(%dma_wait3A_132 : memref<20480x128xf32, #tpu.memory_space<hbm>>) dst(%dma_wait3A_129 : memref<128x128xf32, #tpu.memory_space<vmem>>)
      %dma_wait3A_133 = arith.constant 0 : i32
      %dma_wait3A_134 = tpu.memref_slice %arg4[%dma_wait3A_133] : memref<324608xi32, #tpu.memory_space<hbm>> -> memref<128xi32, #tpu.memory_space<hbm>>
      %dma_wait3A_135 = arith.constant 0 : i32
      %dma_wait3A_136 = tpu.memref_slice %arg4[%dma_wait3A_135] : memref<324608xi32, #tpu.memory_space<hbm>> -> memref<128xi32, #tpu.memory_space<hbm>>
      tpu.wait_dma2 semaphore(%arg16 : memref<!tpu.dma_semaphore, #tpu.memory_space<semaphore_mem>>) src(%dma_wait3A_136 : memref<128xi32, #tpu.memory_space<hbm>>) dst(%arg10 : memref<128xi32, #tpu.memory_space<vmem>>)
      %run_scoped3A_137 = arith.constant 1 : i32
      "tpu.region"() ({
        %run_scoped3A_152 = tpu.sem_alloc : memref<!tpu.dma_semaphore, #tpu.memory_space<semaphore_mem>>
        %dma_start3A_153 = arith.constant 0 : i32
        %dma_start3A_154 = arith.constant 0 : i32
        %dma_start3A_155 = tpu.memref_slice %arg11[%run_scoped3A_137, %dma_start3A_153, %dma_start3A_154] : memref<2x128x128xf32, #tpu.memory_space<vmem>> -> memref<1x128x128xf32, #tpu.memory_space<vmem>>
        %dma_start3A_156 = tpu.memref_squeeze %dma_start3A_155 : memref<1x128x128xf32, #tpu.memory_space<vmem>> -> memref<128x128xf32, #tpu.memory_space<vmem>>
        %dma_start3A_157 = arith.constant 0 : i32
        %dma_start3A_158 = arith.constant 0 : i32
        %dma_start3A_159 = tpu.memref_slice %arg12[%dma_start3A_157, %dma_start3A_158] : memref<10240x128xf32, #tpu.memory_space<vmem_shared>> -> memref<10240x128xf32, #tpu.memory_space<vmem_shared>>
        tpu.enqueue_indirect_dma source(%dma_start3A_156 : memref<128x128xf32, #tpu.memory_space<vmem>>) target(%dma_start3A_159 : memref<10240x128xf32, #tpu.memory_space<vmem_shared>>) offsets(%arg10 : memref<128xi32, #tpu.memory_space<vmem>>) semaphore(%run_scoped3A_152 : memref<!tpu.dma_semaphore, #tpu.memory_space<semaphore_mem>>) {add = true}
        %dma_wait3A_160 = arith.constant 0 : i32
        %dma_wait3A_161 = arith.constant 0 : i32
        %dma_wait3A_162 = tpu.memref_slice %arg11[%run_scoped3A_137, %dma_wait3A_160, %dma_wait3A_161] : memref<2x128x128xf32, #tpu.memory_space<vmem>> -> memref<1x128x128xf32, #tpu.memory_space<vmem>>
        %dma_wait3A_163 = tpu.memref_squeeze %dma_wait3A_162 : memref<1x128x128xf32, #tpu.memory_space<vmem>> -> memref<128x128xf32, #tpu.memory_space<vmem>>
        %dma_wait3A_164 = arith.constant 0 : i32
        %dma_wait3A_165 = arith.constant 0 : i32
        %dma_wait3A_166 = tpu.memref_slice %arg12[%dma_wait3A_164, %dma_wait3A_165] : memref<10240x128xf32, #tpu.memory_space<vmem_shared>> -> memref<10240x128xf32, #tpu.memory_space<vmem_shared>>
        tpu.wait_indirect_dma semaphore(%run_scoped3A_152 : memref<!tpu.dma_semaphore, #tpu.memory_space<semaphore_mem>>) src(%dma_wait3A_163 : memref<128x128xf32, #tpu.memory_space<vmem>>) dst(%dma_wait3A_166 : memref<10240x128xf32, #tpu.memory_space<vmem_shared>>)
        tpu.yield
      }) : () -> ()
      %add3A_138 = arith.constant 2 : i32
      %add3A_139 = arith.addi %add3A_69, %add3A_138 : i32
      %add3A_140 = arith.constant 1 : i32
      %add3A_141 = arith.addi %add3A_139, %add3A_140 : i32
      %mul3A_142 = arith.constant 128 : i32
      %mul3A_143 = arith.muli %add3A_141, %mul3A_142 : i32
      %add3A_144 = arith.addi %multiple_of3A, %mul3A_143 : i32
      %multiple_of3A_145 = tpu.assume_multiple %add3A_144, 128 : i32
      %dma_start3A_146 = tpu.memref_slice %arg3[%arg0, %multiple_of3A_145] : memref<2x324608xi32, #tpu.memory_space<hbm>> -> memref<1x128xi32, #tpu.memory_space<hbm>>
      %dma_start3A_147 = tpu.memref_squeeze %dma_start3A_146 : memref<1x128xi32, #tpu.memory_space<hbm>> -> memref<128xi32, #tpu.memory_space<hbm>>
      %dma_start3A_148 = tpu.memref_slice %arg3[%arg0, %multiple_of3A_145] : memref<2x324608xi32, #tpu.memory_space<hbm>> -> memref<1x128xi32, #tpu.memory_space<hbm>>
      %dma_start3A_149 = tpu.memref_squeeze %dma_start3A_148 : memref<1x128xi32, #tpu.memory_space<hbm>> -> memref<128xi32, #tpu.memory_space<hbm>>
      tpu.enqueue_dma source(%dma_start3A_149 : memref<128xi32, #tpu.memory_space<hbm>>) target(%arg8 : memref<128xi32, #tpu.memory_space<vmem>>) target_semaphore(%arg14 : memref<!tpu.dma_semaphore, #tpu.memory_space<semaphore_mem>>)
      %dma_start3A_150 = tpu.memref_slice %arg4[%multiple_of3A_145] : memref<324608xi32, #tpu.memory_space<hbm>> -> memref<128xi32, #tpu.memory_space<hbm>>
      %dma_start3A_151 = tpu.memref_slice %arg4[%multiple_of3A_145] : memref<324608xi32, #tpu.memory_space<hbm>> -> memref<128xi32, #tpu.memory_space<hbm>>
      tpu.enqueue_dma source(%dma_start3A_151 : memref<128xi32, #tpu.memory_space<hbm>>) target(%arg10 : memref<128xi32, #tpu.memory_space<vmem>>) target_semaphore(%arg16 : memref<!tpu.dma_semaphore, #tpu.memory_space<semaphore_mem>>)
    }
    %scan3A_38 = arith.constant 79 : i32
    %dma_wait3A = arith.constant 0 : i32
    %dma_wait3A_39 = tpu.memref_slice %arg3[%arg0, %dma_wait3A] : memref<2x324608xi32, #tpu.memory_space<hbm>> -> memref<1x128xi32, #tpu.memory_space<hbm>>
    %dma_wait3A_40 = tpu.memref_squeeze %dma_wait3A_39 : memref<1x128xi32, #tpu.memory_space<hbm>> -> memref<128xi32, #tpu.memory_space<hbm>>
    %dma_wait3A_41 = arith.constant 0 : i32
    %dma_wait3A_42 = tpu.memref_slice %arg3[%arg0, %dma_wait3A_41] : memref<2x324608xi32, #tpu.memory_space<hbm>> -> memref<1x128xi32, #tpu.memory_space<hbm>>
    %dma_wait3A_43 = tpu.memref_squeeze %dma_wait3A_42 : memref<1x128xi32, #tpu.memory_space<hbm>> -> memref<128xi32, #tpu.memory_space<hbm>>
    tpu.wait_dma2 semaphore(%arg13 : memref<!tpu.dma_semaphore, #tpu.memory_space<semaphore_mem>>) src(%dma_wait3A_43 : memref<128xi32, #tpu.memory_space<hbm>>) dst(%arg7 : memref<128xi32, #tpu.memory_space<vmem>>)
    %dma_wait3A_44 = arith.constant 0 : i32
    %dma_wait3A_45 = tpu.memref_slice %arg4[%dma_wait3A_44] : memref<324608xi32, #tpu.memory_space<hbm>> -> memref<128xi32, #tpu.memory_space<hbm>>
    %dma_wait3A_46 = arith.constant 0 : i32
    %dma_wait3A_47 = tpu.memref_slice %arg4[%dma_wait3A_46] : memref<324608xi32, #tpu.memory_space<hbm>> -> memref<128xi32, #tpu.memory_space<hbm>>
    tpu.wait_dma2 semaphore(%arg15 : memref<!tpu.dma_semaphore, #tpu.memory_space<semaphore_mem>>) src(%dma_wait3A_47 : memref<128xi32, #tpu.memory_space<hbm>>) dst(%arg9 : memref<128xi32, #tpu.memory_space<vmem>>)
    %dma_wait3A_48 = arith.constant 0 : i32
    %dma_wait3A_49 = tpu.memref_slice %arg3[%arg0, %dma_wait3A_48] : memref<2x324608xi32, #tpu.memory_space<hbm>> -> memref<1x128xi32, #tpu.memory_space<hbm>>
    %dma_wait3A_50 = tpu.memref_squeeze %dma_wait3A_49 : memref<1x128xi32, #tpu.memory_space<hbm>> -> memref<128xi32, #tpu.memory_space<hbm>>
    %dma_wait3A_51 = arith.constant 0 : i32
    %dma_wait3A_52 = tpu.memref_slice %arg3[%arg0, %dma_wait3A_51] : memref<2x324608xi32, #tpu.memory_space<hbm>> -> memref<1x128xi32, #tpu.memory_space<hbm>>
    %dma_wait3A_53 = tpu.memref_squeeze %dma_wait3A_52 : memref<1x128xi32, #tpu.memory_space<hbm>> -> memref<128xi32, #tpu.memory_space<hbm>>
    tpu.wait_dma2 semaphore(%arg14 : memref<!tpu.dma_semaphore, #tpu.memory_space<semaphore_mem>>) src(%dma_wait3A_53 : memref<128xi32, #tpu.memory_space<hbm>>) dst(%arg8 : memref<128xi32, #tpu.memory_space<vmem>>)
    %dma_wait3A_54 = arith.constant 0 : i32
    %dma_wait3A_55 = tpu.memref_slice %arg4[%dma_wait3A_54] : memref<324608xi32, #tpu.memory_space<hbm>> -> memref<128xi32, #tpu.memory_space<hbm>>
    %dma_wait3A_56 = arith.constant 0 : i32
    %dma_wait3A_57 = tpu.memref_slice %arg4[%dma_wait3A_56] : memref<324608xi32, #tpu.memory_space<hbm>> -> memref<128xi32, #tpu.memory_space<hbm>>
    tpu.wait_dma2 semaphore(%arg16 : memref<!tpu.dma_semaphore, #tpu.memory_space<semaphore_mem>>) src(%dma_wait3A_57 : memref<128xi32, #tpu.memory_space<hbm>>) dst(%arg10 : memref<128xi32, #tpu.memory_space<vmem>>)
    %barrier3A_58 = arith.constant 0 : index
    tpu.barrier barrier_id(%barrier3A_58)
    %mul3A_59 = arith.constant 10240 : i32
    %mul3A_60 = arith.muli %arg0, %mul3A_59 : i32
    %mul3A_61 = arith.constant 640 : i32
    %mul3A_62 = arith.muli %arg1, %mul3A_61 : i32
    %add3A_63 = arith.addi %mul3A_60, %mul3A_62 : i32
    %multiple_of3A_64 = tpu.assume_multiple %add3A_63, 128 : i32
    "tpu.region"() ({
      %run_scoped3A_65 = tpu.sem_alloc : memref<!tpu.dma_semaphore, #tpu.memory_space<semaphore_mem>>
      %dma_start3A_66 = arith.constant 0 : i32
      %dma_start3A_67 = tpu.memref_slice %arg6[%multiple_of3A_64, %dma_start3A_66] : memref<20480x128xf32, #tpu.memory_space<hbm>> -> memref<640x128xf32, #tpu.memory_space<hbm>>
      %dma_start3A_68 = arith.constant 0 : i32
      %dma_start3A_69 = tpu.memref_slice %arg12[%multiple_of3A_3, %dma_start3A_68] : memref<10240x128xf32, #tpu.memory_space<vmem_shared>> -> memref<640x128xf32, #tpu.memory_space<vmem_shared>>
      tpu.enqueue_dma source(%dma_start3A_69 : memref<640x128xf32, #tpu.memory_space<vmem_shared>>) target(%dma_start3A_67 : memref<640x128xf32, #tpu.memory_space<hbm>>) target_semaphore(%run_scoped3A_65 : memref<!tpu.dma_semaphore, #tpu.memory_space<semaphore_mem>>)
      %dma_wait3A_70 = arith.constant 0 : i32
      %dma_wait3A_71 = tpu.memref_slice %arg6[%multiple_of3A_64, %dma_wait3A_70] : memref<20480x128xf32, #tpu.memory_space<hbm>> -> memref<640x128xf32, #tpu.memory_space<hbm>>
      %dma_wait3A_72 = arith.constant 0 : i32
      %dma_wait3A_73 = tpu.memref_slice %arg12[%multiple_of3A_3, %dma_wait3A_72] : memref<10240x128xf32, #tpu.memory_space<vmem_shared>> -> memref<640x128xf32, #tpu.memory_space<vmem_shared>>
      tpu.wait_dma2 semaphore(%run_scoped3A_65 : memref<!tpu.dma_semaphore, #tpu.memory_space<semaphore_mem>>) src(%dma_wait3A_73 : memref<640x128xf32, #tpu.memory_space<vmem_shared>>) dst(%dma_wait3A_71 : memref<640x128xf32, #tpu.memory_space<hbm>>)
      tpu.yield
    }) : () -> ()
    return
  }
}

#map = affine_map<(d0, d1) -> (0, 0)>
#map1 = affine_map<(d0, d1) -> (0)>
module attributes {stable_mosaic.version = 14 : i64} {
  func.func @_deg_kernel_body(%arg0: i32, %arg1: i32, %arg2: memref<2x324608xi32, #tpu.memory_space<hbm>>, %arg3: memref<128xf32, #tpu.memory_space<hbm>>, %arg4: memref<640xf32, #tpu.memory_space<hbm>>, %arg5: memref<2x10240xf32, #tpu.memory_space<hbm>>, %arg6: memref<128xi32, #tpu.memory_space<vmem>>, %arg7: memref<128xi32, #tpu.memory_space<vmem>>, %arg8: memref<128xf32, #tpu.memory_space<vmem>>, %arg9: memref<10240xf32, #tpu.memory_space<vmem_shared>>, %arg10: memref<!tpu.dma_semaphore, #tpu.memory_space<semaphore_mem>>, %arg11: memref<!tpu.dma_semaphore, #tpu.memory_space<semaphore_mem>>) attributes {dimension_semantics = [#tpu.dimension_semantics<core_parallel>, #tpu.dimension_semantics<subcore_parallel>], iteration_bounds = array<i64: 2, 16>, scalar_prefetch = 0 : i64, scratch_operands = 6 : i64, tpu.core_type = #tpu.core_type<sc_vector_subcore>, window_params = [{transform_indices = #map}, {transform_indices = #map1}, {transform_indices = #map1}, {transform_indices = #map}]} {
    %mul3A = arith.constant 20224 : i32
    %mul3A_0 = arith.muli %arg1, %mul3A : i32
    %multiple_of3A = tpu.assume_multiple %mul3A_0, 128 : i32
    "tpu.region"() ({
      %run_scoped3A = tpu.sem_alloc : memref<!tpu.dma_semaphore, #tpu.memory_space<semaphore_mem>>
      tpu.enqueue_dma source(%arg3 : memref<128xf32, #tpu.memory_space<hbm>>) target(%arg8 : memref<128xf32, #tpu.memory_space<vmem>>) target_semaphore(%run_scoped3A : memref<!tpu.dma_semaphore, #tpu.memory_space<semaphore_mem>>)
      tpu.wait_dma2 semaphore(%run_scoped3A : memref<!tpu.dma_semaphore, #tpu.memory_space<semaphore_mem>>) src(%arg3 : memref<128xf32, #tpu.memory_space<hbm>>) dst(%arg8 : memref<128xf32, #tpu.memory_space<vmem>>)
      tpu.yield
    }) : () -> ()
    %mul3A_1 = arith.constant 640 : i32
    %mul3A_2 = arith.muli %arg1, %mul3A_1 : i32
    %multiple_of3A_3 = tpu.assume_multiple %mul3A_2, 128 : i32
    "tpu.region"() ({
      %run_scoped3A = tpu.sem_alloc : memref<!tpu.dma_semaphore, #tpu.memory_space<semaphore_mem>>
      %dma_start3A_30 = tpu.memref_slice %arg9[%multiple_of3A_3] : memref<10240xf32, #tpu.memory_space<vmem_shared>> -> memref<640xf32, #tpu.memory_space<vmem_shared>>
      tpu.enqueue_dma source(%arg4 : memref<640xf32, #tpu.memory_space<hbm>>) target(%dma_start3A_30 : memref<640xf32, #tpu.memory_space<vmem_shared>>) target_semaphore(%run_scoped3A : memref<!tpu.dma_semaphore, #tpu.memory_space<semaphore_mem>>)
      %dma_wait3A_31 = tpu.memref_slice %arg9[%multiple_of3A_3] : memref<10240xf32, #tpu.memory_space<vmem_shared>> -> memref<640xf32, #tpu.memory_space<vmem_shared>>
      tpu.wait_dma2 semaphore(%run_scoped3A : memref<!tpu.dma_semaphore, #tpu.memory_space<semaphore_mem>>) src(%arg4 : memref<640xf32, #tpu.memory_space<hbm>>) dst(%dma_wait3A_31 : memref<640xf32, #tpu.memory_space<vmem_shared>>)
      tpu.yield
    }) : () -> ()
    %add3A = arith.constant 0 : i32
    %add3A_4 = arith.addi %multiple_of3A, %add3A : i32
    %dma_start3A = tpu.memref_slice %arg2[%arg0, %add3A_4] : memref<2x324608xi32, #tpu.memory_space<hbm>> -> memref<1x128xi32, #tpu.memory_space<hbm>>
    %dma_start3A_5 = tpu.memref_squeeze %dma_start3A : memref<1x128xi32, #tpu.memory_space<hbm>> -> memref<128xi32, #tpu.memory_space<hbm>>
    %dma_start3A_6 = tpu.memref_slice %arg2[%arg0, %add3A_4] : memref<2x324608xi32, #tpu.memory_space<hbm>> -> memref<1x128xi32, #tpu.memory_space<hbm>>
    %dma_start3A_7 = tpu.memref_squeeze %dma_start3A_6 : memref<1x128xi32, #tpu.memory_space<hbm>> -> memref<128xi32, #tpu.memory_space<hbm>>
    tpu.enqueue_dma source(%dma_start3A_7 : memref<128xi32, #tpu.memory_space<hbm>>) target(%arg6 : memref<128xi32, #tpu.memory_space<vmem>>) target_semaphore(%arg10 : memref<!tpu.dma_semaphore, #tpu.memory_space<semaphore_mem>>)
    %add3A_8 = arith.constant 128 : i32
    %add3A_9 = arith.addi %multiple_of3A, %add3A_8 : i32
    %dma_start3A_10 = tpu.memref_slice %arg2[%arg0, %add3A_9] : memref<2x324608xi32, #tpu.memory_space<hbm>> -> memref<1x128xi32, #tpu.memory_space<hbm>>
    %dma_start3A_11 = tpu.memref_squeeze %dma_start3A_10 : memref<1x128xi32, #tpu.memory_space<hbm>> -> memref<128xi32, #tpu.memory_space<hbm>>
    %dma_start3A_12 = tpu.memref_slice %arg2[%arg0, %add3A_9] : memref<2x324608xi32, #tpu.memory_space<hbm>> -> memref<1x128xi32, #tpu.memory_space<hbm>>
    %dma_start3A_13 = tpu.memref_squeeze %dma_start3A_12 : memref<1x128xi32, #tpu.memory_space<hbm>> -> memref<128xi32, #tpu.memory_space<hbm>>
    tpu.enqueue_dma source(%dma_start3A_13 : memref<128xi32, #tpu.memory_space<hbm>>) target(%arg7 : memref<128xi32, #tpu.memory_space<vmem>>) target_semaphore(%arg11 : memref<!tpu.dma_semaphore, #tpu.memory_space<semaphore_mem>>)
    %barrier3A = arith.constant 0 : index
    tpu.barrier barrier_id(%barrier3A)
    %scan3A = arith.constant 0 : i32
    %scan3A_14 = arith.constant 79 : i32
    %scan3A_15 = arith.addi %scan3A, %scan3A_14 : i32
    %scan3A_16 = arith.constant 1 : i32
    scf.for %scan3A_30 = %scan3A to %scan3A_15 step %scan3A_16  : i32 {
      %mul3A_31 = arith.constant 2 : i32
      %mul3A_32 = arith.muli %scan3A_30, %mul3A_31 : i32
      %add3A_33 = arith.constant 0 : i32
      %add3A_34 = arith.addi %add3A_33, %mul3A_32 : i32
      %dma_wait3A_35 = arith.constant 0 : i32
      %dma_wait3A_36 = tpu.memref_slice %arg2[%arg0, %dma_wait3A_35] : memref<2x324608xi32, #tpu.memory_space<hbm>> -> memref<1x128xi32, #tpu.memory_space<hbm>>
      %dma_wait3A_37 = tpu.memref_squeeze %dma_wait3A_36 : memref<1x128xi32, #tpu.memory_space<hbm>> -> memref<128xi32, #tpu.memory_space<hbm>>
      %dma_wait3A_38 = arith.constant 0 : i32
      %dma_wait3A_39 = tpu.memref_slice %arg2[%arg0, %dma_wait3A_38] : memref<2x324608xi32, #tpu.memory_space<hbm>> -> memref<1x128xi32, #tpu.memory_space<hbm>>
      %dma_wait3A_40 = tpu.memref_squeeze %dma_wait3A_39 : memref<1x128xi32, #tpu.memory_space<hbm>> -> memref<128xi32, #tpu.memory_space<hbm>>
      tpu.wait_dma2 semaphore(%arg10 : memref<!tpu.dma_semaphore, #tpu.memory_space<semaphore_mem>>) src(%dma_wait3A_40 : memref<128xi32, #tpu.memory_space<hbm>>) dst(%arg6 : memref<128xi32, #tpu.memory_space<vmem>>)
      "tpu.region"() ({
        %run_scoped3A = tpu.sem_alloc : memref<!tpu.dma_semaphore, #tpu.memory_space<semaphore_mem>>
        %dma_start3A_71 = arith.constant 0 : i32
        %dma_start3A_72 = tpu.memref_slice %arg9[%dma_start3A_71] : memref<10240xf32, #tpu.memory_space<vmem_shared>> -> memref<10240xf32, #tpu.memory_space<vmem_shared>>
        tpu.enqueue_indirect_dma source(%arg8 : memref<128xf32, #tpu.memory_space<vmem>>) target(%dma_start3A_72 : memref<10240xf32, #tpu.memory_space<vmem_shared>>) offsets(%arg6 : memref<128xi32, #tpu.memory_space<vmem>>) semaphore(%run_scoped3A : memref<!tpu.dma_semaphore, #tpu.memory_space<semaphore_mem>>) {add = true}
        %dma_wait3A_73 = arith.constant 0 : i32
        %dma_wait3A_74 = tpu.memref_slice %arg9[%dma_wait3A_73] : memref<10240xf32, #tpu.memory_space<vmem_shared>> -> memref<10240xf32, #tpu.memory_space<vmem_shared>>
        tpu.wait_indirect_dma semaphore(%run_scoped3A : memref<!tpu.dma_semaphore, #tpu.memory_space<semaphore_mem>>) src(%arg8 : memref<128xf32, #tpu.memory_space<vmem>>) dst(%dma_wait3A_74 : memref<10240xf32, #tpu.memory_space<vmem_shared>>)
        tpu.yield
      }) : () -> ()
      %add3A_41 = arith.constant 2 : i32
      %add3A_42 = arith.addi %add3A_34, %add3A_41 : i32
      %add3A_43 = arith.constant 0 : i32
      %add3A_44 = arith.addi %add3A_42, %add3A_43 : i32
      %mul3A_45 = arith.constant 128 : i32
      %mul3A_46 = arith.muli %add3A_44, %mul3A_45 : i32
      %add3A_47 = arith.addi %multiple_of3A, %mul3A_46 : i32
      %multiple_of3A_48 = tpu.assume_multiple %add3A_47, 128 : i32
      %dma_start3A_49 = tpu.memref_slice %arg2[%arg0, %multiple_of3A_48] : memref<2x324608xi32, #tpu.memory_space<hbm>> -> memref<1x128xi32, #tpu.memory_space<hbm>>
      %dma_start3A_50 = tpu.memref_squeeze %dma_start3A_49 : memref<1x128xi32, #tpu.memory_space<hbm>> -> memref<128xi32, #tpu.memory_space<hbm>>
      %dma_start3A_51 = tpu.memref_slice %arg2[%arg0, %multiple_of3A_48] : memref<2x324608xi32, #tpu.memory_space<hbm>> -> memref<1x128xi32, #tpu.memory_space<hbm>>
      %dma_start3A_52 = tpu.memref_squeeze %dma_start3A_51 : memref<1x128xi32, #tpu.memory_space<hbm>> -> memref<128xi32, #tpu.memory_space<hbm>>
      tpu.enqueue_dma source(%dma_start3A_52 : memref<128xi32, #tpu.memory_space<hbm>>) target(%arg6 : memref<128xi32, #tpu.memory_space<vmem>>) target_semaphore(%arg10 : memref<!tpu.dma_semaphore, #tpu.memory_space<semaphore_mem>>)
      %dma_wait3A_53 = arith.constant 0 : i32
      %dma_wait3A_54 = tpu.memref_slice %arg2[%arg0, %dma_wait3A_53] : memref<2x324608xi32, #tpu.memory_space<hbm>> -> memref<1x128xi32, #tpu.memory_space<hbm>>
      %dma_wait3A_55 = tpu.memref_squeeze %dma_wait3A_54 : memref<1x128xi32, #tpu.memory_space<hbm>> -> memref<128xi32, #tpu.memory_space<hbm>>
      %dma_wait3A_56 = arith.constant 0 : i32
      %dma_wait3A_57 = tpu.memref_slice %arg2[%arg0, %dma_wait3A_56] : memref<2x324608xi32, #tpu.memory_space<hbm>> -> memref<1x128xi32, #tpu.memory_space<hbm>>
      %dma_wait3A_58 = tpu.memref_squeeze %dma_wait3A_57 : memref<1x128xi32, #tpu.memory_space<hbm>> -> memref<128xi32, #tpu.memory_space<hbm>>
      tpu.wait_dma2 semaphore(%arg11 : memref<!tpu.dma_semaphore, #tpu.memory_space<semaphore_mem>>) src(%dma_wait3A_58 : memref<128xi32, #tpu.memory_space<hbm>>) dst(%arg7 : memref<128xi32, #tpu.memory_space<vmem>>)
      "tpu.region"() ({
        %run_scoped3A = tpu.sem_alloc : memref<!tpu.dma_semaphore, #tpu.memory_space<semaphore_mem>>
        %dma_start3A_71 = arith.constant 0 : i32
        %dma_start3A_72 = tpu.memref_slice %arg9[%dma_start3A_71] : memref<10240xf32, #tpu.memory_space<vmem_shared>> -> memref<10240xf32, #tpu.memory_space<vmem_shared>>
        tpu.enqueue_indirect_dma source(%arg8 : memref<128xf32, #tpu.memory_space<vmem>>) target(%dma_start3A_72 : memref<10240xf32, #tpu.memory_space<vmem_shared>>) offsets(%arg7 : memref<128xi32, #tpu.memory_space<vmem>>) semaphore(%run_scoped3A : memref<!tpu.dma_semaphore, #tpu.memory_space<semaphore_mem>>) {add = true}
        %dma_wait3A_73 = arith.constant 0 : i32
        %dma_wait3A_74 = tpu.memref_slice %arg9[%dma_wait3A_73] : memref<10240xf32, #tpu.memory_space<vmem_shared>> -> memref<10240xf32, #tpu.memory_space<vmem_shared>>
        tpu.wait_indirect_dma semaphore(%run_scoped3A : memref<!tpu.dma_semaphore, #tpu.memory_space<semaphore_mem>>) src(%arg8 : memref<128xf32, #tpu.memory_space<vmem>>) dst(%dma_wait3A_74 : memref<10240xf32, #tpu.memory_space<vmem_shared>>)
        tpu.yield
      }) : () -> ()
      %add3A_59 = arith.constant 2 : i32
      %add3A_60 = arith.addi %add3A_34, %add3A_59 : i32
      %add3A_61 = arith.constant 1 : i32
      %add3A_62 = arith.addi %add3A_60, %add3A_61 : i32
      %mul3A_63 = arith.constant 128 : i32
      %mul3A_64 = arith.muli %add3A_62, %mul3A_63 : i32
      %add3A_65 = arith.addi %multiple_of3A, %mul3A_64 : i32
      %multiple_of3A_66 = tpu.assume_multiple %add3A_65, 128 : i32
      %dma_start3A_67 = tpu.memref_slice %arg2[%arg0, %multiple_of3A_66] : memref<2x324608xi32, #tpu.memory_space<hbm>> -> memref<1x128xi32, #tpu.memory_space<hbm>>
      %dma_start3A_68 = tpu.memref_squeeze %dma_start3A_67 : memref<1x128xi32, #tpu.memory_space<hbm>> -> memref<128xi32, #tpu.memory_space<hbm>>
      %dma_start3A_69 = tpu.memref_slice %arg2[%arg0, %multiple_of3A_66] : memref<2x324608xi32, #tpu.memory_space<hbm>> -> memref<1x128xi32, #tpu.memory_space<hbm>>
      %dma_start3A_70 = tpu.memref_squeeze %dma_start3A_69 : memref<1x128xi32, #tpu.memory_space<hbm>> -> memref<128xi32, #tpu.memory_space<hbm>>
      tpu.enqueue_dma source(%dma_start3A_70 : memref<128xi32, #tpu.memory_space<hbm>>) target(%arg7 : memref<128xi32, #tpu.memory_space<vmem>>) target_semaphore(%arg11 : memref<!tpu.dma_semaphore, #tpu.memory_space<semaphore_mem>>)
    }
    %scan3A_17 = arith.constant 79 : i32
    %dma_wait3A = arith.constant 0 : i32
    %dma_wait3A_18 = tpu.memref_slice %arg2[%arg0, %dma_wait3A] : memref<2x324608xi32, #tpu.memory_space<hbm>> -> memref<1x128xi32, #tpu.memory_space<hbm>>
    %dma_wait3A_19 = tpu.memref_squeeze %dma_wait3A_18 : memref<1x128xi32, #tpu.memory_space<hbm>> -> memref<128xi32, #tpu.memory_space<hbm>>
    %dma_wait3A_20 = arith.constant 0 : i32
    %dma_wait3A_21 = tpu.memref_slice %arg2[%arg0, %dma_wait3A_20] : memref<2x324608xi32, #tpu.memory_space<hbm>> -> memref<1x128xi32, #tpu.memory_space<hbm>>
    %dma_wait3A_22 = tpu.memref_squeeze %dma_wait3A_21 : memref<1x128xi32, #tpu.memory_space<hbm>> -> memref<128xi32, #tpu.memory_space<hbm>>
    tpu.wait_dma2 semaphore(%arg10 : memref<!tpu.dma_semaphore, #tpu.memory_space<semaphore_mem>>) src(%dma_wait3A_22 : memref<128xi32, #tpu.memory_space<hbm>>) dst(%arg6 : memref<128xi32, #tpu.memory_space<vmem>>)
    %dma_wait3A_23 = arith.constant 0 : i32
    %dma_wait3A_24 = tpu.memref_slice %arg2[%arg0, %dma_wait3A_23] : memref<2x324608xi32, #tpu.memory_space<hbm>> -> memref<1x128xi32, #tpu.memory_space<hbm>>
    %dma_wait3A_25 = tpu.memref_squeeze %dma_wait3A_24 : memref<1x128xi32, #tpu.memory_space<hbm>> -> memref<128xi32, #tpu.memory_space<hbm>>
    %dma_wait3A_26 = arith.constant 0 : i32
    %dma_wait3A_27 = tpu.memref_slice %arg2[%arg0, %dma_wait3A_26] : memref<2x324608xi32, #tpu.memory_space<hbm>> -> memref<1x128xi32, #tpu.memory_space<hbm>>
    %dma_wait3A_28 = tpu.memref_squeeze %dma_wait3A_27 : memref<1x128xi32, #tpu.memory_space<hbm>> -> memref<128xi32, #tpu.memory_space<hbm>>
    tpu.wait_dma2 semaphore(%arg11 : memref<!tpu.dma_semaphore, #tpu.memory_space<semaphore_mem>>) src(%dma_wait3A_28 : memref<128xi32, #tpu.memory_space<hbm>>) dst(%arg7 : memref<128xi32, #tpu.memory_space<vmem>>)
    %barrier3A_29 = arith.constant 0 : index
    tpu.barrier barrier_id(%barrier3A_29)
    "tpu.region"() ({
      %run_scoped3A = tpu.sem_alloc : memref<!tpu.dma_semaphore, #tpu.memory_space<semaphore_mem>>
      %dma_start3A_30 = tpu.memref_slice %arg5[%arg0, %multiple_of3A_3] : memref<2x10240xf32, #tpu.memory_space<hbm>> -> memref<1x640xf32, #tpu.memory_space<hbm>>
      %dma_start3A_31 = tpu.memref_squeeze %dma_start3A_30 : memref<1x640xf32, #tpu.memory_space<hbm>> -> memref<640xf32, #tpu.memory_space<hbm>>
      %dma_start3A_32 = tpu.memref_slice %arg9[%multiple_of3A_3] : memref<10240xf32, #tpu.memory_space<vmem_shared>> -> memref<640xf32, #tpu.memory_space<vmem_shared>>
      tpu.enqueue_dma source(%dma_start3A_32 : memref<640xf32, #tpu.memory_space<vmem_shared>>) target(%dma_start3A_31 : memref<640xf32, #tpu.memory_space<hbm>>) target_semaphore(%run_scoped3A : memref<!tpu.dma_semaphore, #tpu.memory_space<semaphore_mem>>)
      %dma_wait3A_33 = tpu.memref_slice %arg5[%arg0, %multiple_of3A_3] : memref<2x10240xf32, #tpu.memory_space<hbm>> -> memref<1x640xf32, #tpu.memory_space<hbm>>
      %dma_wait3A_34 = tpu.memref_squeeze %dma_wait3A_33 : memref<1x640xf32, #tpu.memory_space<hbm>> -> memref<640xf32, #tpu.memory_space<hbm>>
      %dma_wait3A_35 = tpu.memref_slice %arg9[%multiple_of3A_3] : memref<10240xf32, #tpu.memory_space<vmem_shared>> -> memref<640xf32, #tpu.memory_space<vmem_shared>>
      tpu.wait_dma2 semaphore(%run_scoped3A : memref<!tpu.dma_semaphore, #tpu.memory_space<semaphore_mem>>) src(%dma_wait3A_35 : memref<640xf32, #tpu.memory_space<vmem_shared>>) dst(%dma_wait3A_34 : memref<640xf32, #tpu.memory_space<hbm>>)
      tpu.yield
    }) : () -> ()
    return
  }
}

module attributes {stable_mosaic.version = 14 : i64} {
  func.func @_mm_norm_body(%arg0: i32, %arg1: memref<200x4096xf32, #tpu.memory_space<vmem>>, %arg2: memref<4096x128xf32, #tpu.memory_space<vmem>>, %arg3: memref<1x128xf32, #tpu.memory_space<vmem>>, %arg4: memref<200x128xf32, #tpu.memory_space<vmem>>) attributes {dimension_semantics = [#tpu.dimension_semantics<arbitrary>], iteration_bounds = array<i64: 25>, scalar_prefetch = 0 : i64, scratch_operands = 0 : i64, tpu.core_type = #tpu.core_type<tc>, window_params = [{transform_indices = @transform_0, window_bounds = array<i64: 200, 4096>}, {pipeline_mode = #tpu.pipeline_mode<synchronous>, transform_indices = @transform_1, window_bounds = array<i64: 4096, 128>}, {pipeline_mode = #tpu.pipeline_mode<synchronous>, transform_indices = @transform_2, window_bounds = array<i64: 1, 128>}, {transform_indices = @transform_3, window_bounds = array<i64: 200, 128>}]} {
    %get3A = arith.constant 0 : index
    %get3A_0 = arith.constant 0 : index
    %get3A_1 = vector.load %arg1[%get3A, %get3A_0] : memref<200x4096xf32, #tpu.memory_space<vmem>>, vector<200x4096xf32>
    %get3A_2 = arith.constant 0 : index
    %get3A_3 = arith.constant 0 : index
    %get3A_4 = vector.load %arg2[%get3A_2, %get3A_3] : memref<4096x128xf32, #tpu.memory_space<vmem>>, vector<4096x128xf32>
    %dot_general3A = arith.constant dense<0.000000e+00> : vector<200x128xf32>
    %dot_general3A_5 = tpu.matmul %get3A_1, %get3A_4, %dot_general3A {dimension_numbers = #tpu.dot_dimension_numbers<[1], [0], [0], [1], [0, 0, 1, 1], [], []>, transpose_lhs_hint = false} : vector<200x4096xf32>, vector<4096x128xf32>, vector<200x128xf32> -> vector<200x128xf32>
    %get3A_6 = arith.constant 0 : index
    %get3A_7 = arith.constant 0 : index
    %get3A_8 = vector.load %arg3[%get3A_6, %get3A_7] : memref<1x128xf32, #tpu.memory_space<vmem>>, vector<1x128xf32>
    %add3A = vector.broadcast %get3A_8 : vector<1x128xf32> to vector<200x128xf32>
    %add3A_9 = arith.addf %dot_general3A_5, %add3A : vector<200x128xf32>
    %mul3A = arith.mulf %add3A_9, %add3A_9 : vector<200x128xf32>
    %reduce_sum3A = arith.constant dense<0.000000e+00> : vector<200xf32>
    %reduce_sum3A_10 = vector.multi_reduction <add>, %mul3A, %reduce_sum3A [1] : vector<200x128xf32> to vector<200xf32>
    %broadcast_in_dim3A = vector.shape_cast %reduce_sum3A_10 : vector<200xf32> to vector<200x1xf32>
    %add3A_11 = arith.constant 9.99999996E-13 : f32
    %add3A_12 = vector.broadcast %add3A_11 : f32 to vector<200x1xf32>
    %add3A_13 = arith.addf %broadcast_in_dim3A, %add3A_12 : vector<200x1xf32>
    %rsqrt3A = math.rsqrt %add3A_13 : vector<200x1xf32>
    %mul3A_14 = vector.broadcast %rsqrt3A : vector<200x1xf32> to vector<200x128xf32>
    %mul3A_15 = arith.mulf %add3A_9, %mul3A_14 : vector<200x128xf32>
    %swap3A = arith.constant 0 : index
    %swap3A_16 = arith.constant 0 : index
    %swap3A_17 = vector.load %arg4[%swap3A, %swap3A_16] : memref<200x128xf32, #tpu.memory_space<vmem>>, vector<200x128xf32>
    tpu.vector_store %arg4[%swap3A, %swap3A_16], %mul3A_15 {strides = array<i32>} : memref<200x128xf32, #tpu.memory_space<vmem>>, vector<200x128xf32>,
    return
  }
  func.func @transform_0(%arg0: i32) -> (i32, i32) {
    %c0_i32 = arith.constant 0 : i32
    %c0_i32_0 = arith.constant 0 : i32
    return %arg0, %c0_i32 : i32, i32
  }
  func.func @transform_1(%arg0: i32) -> (i32, i32) {
    %c0_i32 = arith.constant 0 : i32
    %c0_i32_0 = arith.constant 0 : i32
    %c0_i32_1 = arith.constant 0 : i32
    return %c0_i32, %c0_i32_0 : i32, i32
  }
  func.func @transform_2(%arg0: i32) -> (i32, i32) {
    %c0_i32 = arith.constant 0 : i32
    %c0_i32_0 = arith.constant 0 : i32
    %c0_i32_1 = arith.constant 0 : i32
    return %c0_i32, %c0_i32_0 : i32, i32
  }
  func.func @transform_3(%arg0: i32) -> (i32, i32) {
    %c0_i32 = arith.constant 0 : i32
    %c0_i32_0 = arith.constant 0 : i32
    return %arg0, %c0_i32 : i32, i32
  }
}

module attributes {stable_mosaic.version = 14 : i64} {
  func.func @_mm_norm_body(%arg0: i32, %arg1: memref<200x768xf32, #tpu.memory_space<vmem>>, %arg2: memref<768x128xf32, #tpu.memory_space<vmem>>, %arg3: memref<1x128xf32, #tpu.memory_space<vmem>>, %arg4: memref<200x128xf32, #tpu.memory_space<vmem>>) attributes {dimension_semantics = [#tpu.dimension_semantics<arbitrary>], iteration_bounds = array<i64: 25>, scalar_prefetch = 0 : i64, scratch_operands = 0 : i64, tpu.core_type = #tpu.core_type<tc>, window_params = [{transform_indices = @transform_0, window_bounds = array<i64: 200, 768>}, {pipeline_mode = #tpu.pipeline_mode<synchronous>, transform_indices = @transform_1, window_bounds = array<i64: 768, 128>}, {pipeline_mode = #tpu.pipeline_mode<synchronous>, transform_indices = @transform_2, window_bounds = array<i64: 1, 128>}, {transform_indices = @transform_3, window_bounds = array<i64: 200, 128>}]} {
    %get3A = arith.constant 0 : index
    %get3A_0 = arith.constant 0 : index
    %get3A_1 = vector.load %arg1[%get3A, %get3A_0] : memref<200x768xf32, #tpu.memory_space<vmem>>, vector<200x768xf32>
    %get3A_2 = arith.constant 0 : index
    %get3A_3 = arith.constant 0 : index
    %get3A_4 = vector.load %arg2[%get3A_2, %get3A_3] : memref<768x128xf32, #tpu.memory_space<vmem>>, vector<768x128xf32>
    %dot_general3A = arith.constant dense<0.000000e+00> : vector<200x128xf32>
    %dot_general3A_5 = tpu.matmul %get3A_1, %get3A_4, %dot_general3A {dimension_numbers = #tpu.dot_dimension_numbers<[1], [0], [0], [1], [0, 0, 1, 1], [], []>, transpose_lhs_hint = false} : vector<200x768xf32>, vector<768x128xf32>, vector<200x128xf32> -> vector<200x128xf32>
    %get3A_6 = arith.constant 0 : index
    %get3A_7 = arith.constant 0 : index
    %get3A_8 = vector.load %arg3[%get3A_6, %get3A_7] : memref<1x128xf32, #tpu.memory_space<vmem>>, vector<1x128xf32>
    %add3A = vector.broadcast %get3A_8 : vector<1x128xf32> to vector<200x128xf32>
    %add3A_9 = arith.addf %dot_general3A_5, %add3A : vector<200x128xf32>
    %mul3A = arith.mulf %add3A_9, %add3A_9 : vector<200x128xf32>
    %reduce_sum3A = arith.constant dense<0.000000e+00> : vector<200xf32>
    %reduce_sum3A_10 = vector.multi_reduction <add>, %mul3A, %reduce_sum3A [1] : vector<200x128xf32> to vector<200xf32>
    %broadcast_in_dim3A = vector.shape_cast %reduce_sum3A_10 : vector<200xf32> to vector<200x1xf32>
    %add3A_11 = arith.constant 9.99999996E-13 : f32
    %add3A_12 = vector.broadcast %add3A_11 : f32 to vector<200x1xf32>
    %add3A_13 = arith.addf %broadcast_in_dim3A, %add3A_12 : vector<200x1xf32>
    %rsqrt3A = math.rsqrt %add3A_13 : vector<200x1xf32>
    %mul3A_14 = vector.broadcast %rsqrt3A : vector<200x1xf32> to vector<200x128xf32>
    %mul3A_15 = arith.mulf %add3A_9, %mul3A_14 : vector<200x128xf32>
    %swap3A = arith.constant 0 : index
    %swap3A_16 = arith.constant 0 : index
    %swap3A_17 = vector.load %arg4[%swap3A, %swap3A_16] : memref<200x128xf32, #tpu.memory_space<vmem>>, vector<200x128xf32>
    tpu.vector_store %arg4[%swap3A, %swap3A_16], %mul3A_15 {strides = array<i32>} : memref<200x128xf32, #tpu.memory_space<vmem>>, vector<200x128xf32>,
    return
  }
  func.func @transform_0(%arg0: i32) -> (i32, i32) {
    %c0_i32 = arith.constant 0 : i32
    %c0_i32_0 = arith.constant 0 : i32
    return %arg0, %c0_i32 : i32, i32
  }
  func.func @transform_1(%arg0: i32) -> (i32, i32) {
    %c0_i32 = arith.constant 0 : i32
    %c0_i32_0 = arith.constant 0 : i32
    %c0_i32_1 = arith.constant 0 : i32
    return %c0_i32, %c0_i32_0 : i32, i32
  }
  func.func @transform_2(%arg0: i32) -> (i32, i32) {
    %c0_i32 = arith.constant 0 : i32
    %c0_i32_0 = arith.constant 0 : i32
    %c0_i32_1 = arith.constant 0 : i32
    return %c0_i32, %c0_i32_0 : i32, i32
  }
  func.func @transform_3(%arg0: i32) -> (i32, i32) {
    %c0_i32 = arith.constant 0 : i32
    %c0_i32_0 = arith.constant 0 : i32
    return %arg0, %c0_i32 : i32, i32
  }
}

module attributes {stable_mosaic.version = 14 : i64} {
  func.func @_prescale_body(%arg0: i32, %arg1: memref<2048x128xf32, #tpu.memory_space<vmem>>, %arg2: memref<2048x1xf32, #tpu.memory_space<vmem>>, %arg3: memref<2048x128xf32, #tpu.memory_space<vmem>>) attributes {dimension_semantics = [#tpu.dimension_semantics<arbitrary>], iteration_bounds = array<i64: 10>, scalar_prefetch = 0 : i64, scratch_operands = 0 : i64, tpu.core_type = #tpu.core_type<tc>, window_params = [{transform_indices = @transform_0, window_bounds = array<i64: 2048, 128>}, {transform_indices = @transform_1, window_bounds = array<i64: 2048, 1>}, {transform_indices = @transform_2, window_bounds = array<i64: 2048, 128>}]} {
    %get3A = arith.constant 0 : index
    %get3A_0 = arith.constant 0 : index
    %get3A_1 = vector.load %arg2[%get3A, %get3A_0] : memref<2048x1xf32, #tpu.memory_space<vmem>>, vector<2048x1xf32>
    %max3A = arith.constant 1.000000e+00 : f32
    %max3A_2 = vector.broadcast %max3A : f32 to vector<2048x1xf32>
    %max3A_3 = arith.maximumf %get3A_1, %max3A_2 : vector<2048x1xf32>
    %rsqrt3A = math.rsqrt %max3A_3 : vector<2048x1xf32>
    %get3A_4 = arith.constant 0 : index
    %get3A_5 = arith.constant 0 : index
    %get3A_6 = vector.load %arg1[%get3A_4, %get3A_5] : memref<2048x128xf32, #tpu.memory_space<vmem>>, vector<2048x128xf32>
    %mul3A = vector.broadcast %rsqrt3A : vector<2048x1xf32> to vector<2048x128xf32>
    %mul3A_7 = arith.mulf %get3A_6, %mul3A : vector<2048x128xf32>
    %swap3A = arith.constant 0 : index
    %swap3A_8 = arith.constant 0 : index
    %swap3A_9 = vector.load %arg3[%swap3A, %swap3A_8] : memref<2048x128xf32, #tpu.memory_space<vmem>>, vector<2048x128xf32>
    tpu.vector_store %arg3[%swap3A, %swap3A_8], %mul3A_7 {strides = array<i32>} : memref<2048x128xf32, #tpu.memory_space<vmem>>, vector<2048x128xf32>,
    return
  }
  func.func @transform_0(%arg0: i32) -> (i32, i32) {
    %c0_i32 = arith.constant 0 : i32
    %c0_i32_0 = arith.constant 0 : i32
    return %arg0, %c0_i32 : i32, i32
  }
  func.func @transform_1(%arg0: i32) -> (i32, i32) {
    %c0_i32 = arith.constant 0 : i32
    %c0_i32_0 = arith.constant 0 : i32
    return %arg0, %c0_i32 : i32, i32
  }
  func.func @transform_2(%arg0: i32) -> (i32, i32) {
    %c0_i32 = arith.constant 0 : i32
    %c0_i32_0 = arith.constant 0 : i32
    return %arg0, %c0_i32 : i32, i32
  }
}

module attributes {stable_mosaic.version = 14 : i64} {
  func.func @_post_body(%arg0: i32, %arg1: memref<2048x128xf32, #tpu.memory_space<vmem>>, %arg2: memref<2048x128xf32, #tpu.memory_space<vmem>>, %arg3: memref<2048x1xf32, #tpu.memory_space<vmem>>, %arg4: memref<2048x1xf32, #tpu.memory_space<vmem>>, %arg5: memref<2048x128xf32, #tpu.memory_space<vmem>>, %arg6: memref<2048x128xf32, #tpu.memory_space<vmem>>) attributes {dimension_semantics = [#tpu.dimension_semantics<arbitrary>], iteration_bounds = array<i64: 10>, scalar_prefetch = 0 : i64, scratch_operands = 0 : i64, tpu.core_type = #tpu.core_type<tc>, window_params = [{transform_indices = @transform_0, window_bounds = array<i64: 2048, 128>}, {transform_indices = @transform_1, window_bounds = array<i64: 2048, 128>}, {transform_indices = @transform_2, window_bounds = array<i64: 2048, 1>}, {transform_indices = @transform_3, window_bounds = array<i64: 2048, 1>}, {transform_indices = @transform_4, window_bounds = array<i64: 2048, 128>}, {transform_indices = @transform_5, window_bounds = array<i64: 2048, 128>}]} {
    %get3A = arith.constant 0 : index
    %get3A_0 = arith.constant 0 : index
    %get3A_1 = vector.load %arg3[%get3A, %get3A_0] : memref<2048x1xf32, #tpu.memory_space<vmem>>, vector<2048x1xf32>
    %max3A = arith.constant 1.000000e+00 : f32
    %max3A_2 = vector.broadcast %max3A : f32 to vector<2048x1xf32>
    %max3A_3 = arith.maximumf %get3A_1, %max3A_2 : vector<2048x1xf32>
    %rsqrt3A = math.rsqrt %max3A_3 : vector<2048x1xf32>
    %get3A_4 = arith.constant 0 : index
    %get3A_5 = arith.constant 0 : index
    %get3A_6 = vector.load %arg1[%get3A_4, %get3A_5] : memref<2048x128xf32, #tpu.memory_space<vmem>>, vector<2048x128xf32>
    %mul3A = vector.broadcast %rsqrt3A : vector<2048x1xf32> to vector<2048x128xf32>
    %mul3A_7 = arith.mulf %get3A_6, %mul3A : vector<2048x128xf32>
    %get3A_8 = arith.constant 0 : index
    %get3A_9 = arith.constant 0 : index
    %get3A_10 = vector.load %arg2[%get3A_8, %get3A_9] : memref<2048x128xf32, #tpu.memory_space<vmem>>, vector<2048x128xf32>
    %mul3A_11 = arith.constant 5.000000e-01 : f32
    %mul3A_12 = vector.broadcast %mul3A_11 : f32 to vector<2048x128xf32>
    %mul3A_13 = arith.mulf %mul3A_12, %get3A_10 : vector<2048x128xf32>
    %add3A = arith.addf %mul3A_7, %mul3A_13 : vector<2048x128xf32>
    %swap3A = arith.constant 0 : index
    %swap3A_14 = arith.constant 0 : index
    %swap3A_15 = vector.load %arg5[%swap3A, %swap3A_14] : memref<2048x128xf32, #tpu.memory_space<vmem>>, vector<2048x128xf32>
    tpu.vector_store %arg5[%swap3A, %swap3A_14], %add3A {strides = array<i32>} : memref<2048x128xf32, #tpu.memory_space<vmem>>, vector<2048x128xf32>,
    %get3A_16 = arith.constant 0 : index
    %get3A_17 = arith.constant 0 : index
    %get3A_18 = vector.load %arg4[%get3A_16, %get3A_17] : memref<2048x1xf32, #tpu.memory_space<vmem>>, vector<2048x1xf32>
    %max3A_19 = arith.constant 1.000000e+00 : f32
    %max3A_20 = vector.broadcast %max3A_19 : f32 to vector<2048x1xf32>
    %max3A_21 = arith.maximumf %get3A_18, %max3A_20 : vector<2048x1xf32>
    %rsqrt3A_22 = math.rsqrt %max3A_21 : vector<2048x1xf32>
    %mul3A_23 = vector.broadcast %rsqrt3A_22 : vector<2048x1xf32> to vector<2048x128xf32>
    %mul3A_24 = arith.mulf %add3A, %mul3A_23 : vector<2048x128xf32>
    %swap3A_25 = arith.constant 0 : index
    %swap3A_26 = arith.constant 0 : index
    %swap3A_27 = vector.load %arg6[%swap3A_25, %swap3A_26] : memref<2048x128xf32, #tpu.memory_space<vmem>>, vector<2048x128xf32>
    tpu.vector_store %arg6[%swap3A_25, %swap3A_26], %mul3A_24 {strides = array<i32>} : memref<2048x128xf32, #tpu.memory_space<vmem>>, vector<2048x128xf32>,
    return
  }
  func.func @transform_0(%arg0: i32) -> (i32, i32) {
    %c0_i32 = arith.constant 0 : i32
    %c0_i32_0 = arith.constant 0 : i32
    return %arg0, %c0_i32 : i32, i32
  }
  func.func @transform_1(%arg0: i32) -> (i32, i32) {
    %c0_i32 = arith.constant 0 : i32
    %c0_i32_0 = arith.constant 0 : i32
    return %arg0, %c0_i32 : i32, i32
  }
  func.func @transform_2(%arg0: i32) -> (i32, i32) {
    %c0_i32 = arith.constant 0 : i32
    %c0_i32_0 = arith.constant 0 : i32
    return %arg0, %c0_i32 : i32, i32
  }
  func.func @transform_3(%arg0: i32) -> (i32, i32) {
    %c0_i32 = arith.constant 0 : i32
    %c0_i32_0 = arith.constant 0 : i32
    return %arg0, %c0_i32 : i32, i32
  }
  func.func @transform_4(%arg0: i32) -> (i32, i32) {
    %c0_i32 = arith.constant 0 : i32
    %c0_i32_0 = arith.constant 0 : i32
    return %arg0, %c0_i32 : i32, i32
  }
  func.func @transform_5(%arg0: i32) -> (i32, i32) {
    %c0_i32 = arith.constant 0 : i32
    %c0_i32_0 = arith.constant 0 : i32
    return %arg0, %c0_i32 : i32, i32
  }
}

module attributes {stable_mosaic.version = 14 : i64} {
  func.func @_post_body(%arg0: i32, %arg1: memref<2048x128xf32, #tpu.memory_space<vmem>>, %arg2: memref<2048x128xf32, #tpu.memory_space<vmem>>, %arg3: memref<2048x1xf32, #tpu.memory_space<vmem>>, %arg4: memref<2048x1xf32, #tpu.memory_space<vmem>>, %arg5: memref<2048x128xf32, #tpu.memory_space<vmem>>, %arg6: memref<2048x128xf32, #tpu.memory_space<vmem>>) attributes {dimension_semantics = [#tpu.dimension_semantics<arbitrary>], iteration_bounds = array<i64: 10>, scalar_prefetch = 0 : i64, scratch_operands = 0 : i64, tpu.core_type = #tpu.core_type<tc>, window_params = [{transform_indices = @transform_0, window_bounds = array<i64: 2048, 128>}, {transform_indices = @transform_1, window_bounds = array<i64: 2048, 128>}, {transform_indices = @transform_2, window_bounds = array<i64: 2048, 1>}, {transform_indices = @transform_3, window_bounds = array<i64: 2048, 1>}, {transform_indices = @transform_4, window_bounds = array<i64: 2048, 128>}, {transform_indices = @transform_5, window_bounds = array<i64: 2048, 128>}]} {
    %get3A = arith.constant 0 : index
    %get3A_0 = arith.constant 0 : index
    %get3A_1 = vector.load %arg3[%get3A, %get3A_0] : memref<2048x1xf32, #tpu.memory_space<vmem>>, vector<2048x1xf32>
    %max3A = arith.constant 1.000000e+00 : f32
    %max3A_2 = vector.broadcast %max3A : f32 to vector<2048x1xf32>
    %max3A_3 = arith.maximumf %get3A_1, %max3A_2 : vector<2048x1xf32>
    %rsqrt3A = math.rsqrt %max3A_3 : vector<2048x1xf32>
    %get3A_4 = arith.constant 0 : index
    %get3A_5 = arith.constant 0 : index
    %get3A_6 = vector.load %arg1[%get3A_4, %get3A_5] : memref<2048x128xf32, #tpu.memory_space<vmem>>, vector<2048x128xf32>
    %mul3A = vector.broadcast %rsqrt3A : vector<2048x1xf32> to vector<2048x128xf32>
    %mul3A_7 = arith.mulf %get3A_6, %mul3A : vector<2048x128xf32>
    %get3A_8 = arith.constant 0 : index
    %get3A_9 = arith.constant 0 : index
    %get3A_10 = vector.load %arg2[%get3A_8, %get3A_9] : memref<2048x128xf32, #tpu.memory_space<vmem>>, vector<2048x128xf32>
    %mul3A_11 = arith.constant 5.000000e-01 : f32
    %mul3A_12 = vector.broadcast %mul3A_11 : f32 to vector<2048x128xf32>
    %mul3A_13 = arith.mulf %mul3A_12, %get3A_10 : vector<2048x128xf32>
    %add3A = arith.addf %mul3A_7, %mul3A_13 : vector<2048x128xf32>
    %swap3A = arith.constant 0 : index
    %swap3A_14 = arith.constant 0 : index
    %swap3A_15 = vector.load %arg5[%swap3A, %swap3A_14] : memref<2048x128xf32, #tpu.memory_space<vmem>>, vector<2048x128xf32>
    tpu.vector_store %arg5[%swap3A, %swap3A_14], %add3A {strides = array<i32>} : memref<2048x128xf32, #tpu.memory_space<vmem>>, vector<2048x128xf32>,
    %get3A_16 = arith.constant 0 : index
    %get3A_17 = arith.constant 0 : index
    %get3A_18 = vector.load %arg4[%get3A_16, %get3A_17] : memref<2048x1xf32, #tpu.memory_space<vmem>>, vector<2048x1xf32>
    %max3A_19 = arith.constant 1.000000e+00 : f32
    %max3A_20 = vector.broadcast %max3A_19 : f32 to vector<2048x1xf32>
    %max3A_21 = arith.maximumf %get3A_18, %max3A_20 : vector<2048x1xf32>
    %rsqrt3A_22 = math.rsqrt %max3A_21 : vector<2048x1xf32>
    %mul3A_23 = vector.broadcast %rsqrt3A_22 : vector<2048x1xf32> to vector<2048x128xf32>
    %mul3A_24 = arith.mulf %add3A, %mul3A_23 : vector<2048x128xf32>
    %swap3A_25 = arith.constant 0 : index
    %swap3A_26 = arith.constant 0 : index
    %swap3A_27 = vector.load %arg6[%swap3A_25, %swap3A_26] : memref<2048x128xf32, #tpu.memory_space<vmem>>, vector<2048x128xf32>
    tpu.vector_store %arg6[%swap3A_25, %swap3A_26], %mul3A_24 {strides = array<i32>} : memref<2048x128xf32, #tpu.memory_space<vmem>>, vector<2048x128xf32>,
    return
  }
  func.func @transform_0(%arg0: i32) -> (i32, i32) {
    %c0_i32 = arith.constant 0 : i32
    %c0_i32_0 = arith.constant 0 : i32
    return %arg0, %c0_i32 : i32, i32
  }
  func.func @transform_1(%arg0: i32) -> (i32, i32) {
    %c0_i32 = arith.constant 0 : i32
    %c0_i32_0 = arith.constant 0 : i32
    return %arg0, %c0_i32 : i32, i32
  }
  func.func @transform_2(%arg0: i32) -> (i32, i32) {
    %c0_i32 = arith.constant 0 : i32
    %c0_i32_0 = arith.constant 0 : i32
    return %arg0, %c0_i32 : i32, i32
  }
  func.func @transform_3(%arg0: i32) -> (i32, i32) {
    %c0_i32 = arith.constant 0 : i32
    %c0_i32_0 = arith.constant 0 : i32
    return %arg0, %c0_i32 : i32, i32
  }
  func.func @transform_4(%arg0: i32) -> (i32, i32) {
    %c0_i32 = arith.constant 0 : i32
    %c0_i32_0 = arith.constant 0 : i32
    return %arg0, %c0_i32 : i32, i32
  }
  func.func @transform_5(%arg0: i32) -> (i32, i32) {
    %c0_i32 = arith.constant 0 : i32
    %c0_i32_0 = arith.constant 0 : i32
    return %arg0, %c0_i32 : i32, i32
  }
}

</mosaic_0001>

<sc_bundles>
// kernel: kernel.10.cloned.1.call-start
scs
__scs_entry_jumppad:
0x0: {  	(pc) =	sbr.rel $0x88, $3  }
0x1: {  	(tag) =	ssettag $0x0;
	lr =	simm.s32 $0x1  }
0x2: {  	[smem:$0x3F98] =	sst lr;
	_ =	strace $0xD0000000  }
0x3: {  	_ = 	snop  }
0x4: {  	_ = 	snop  }
0x5: {  	_ = 	snop  }
0x6: {  	_ = 	snop  }
0x7: {  	_ = 	snop  }
__scs_overlays_trampoline_lowered:
0x8: {  	[smem:$0x3FA7] =	sst s0  }
0x9: {  	[smem:$0x3FA8] =	sst s1  }
0xa: {  	[smem:$0x3FA9] =	sst s2  }
0xb: {  	[smem:$0x3FAA] =	sst s3  }
0xc: {  	[smem:$0x3FAB] =	sst s4  }
0xd: {  	[smem:$0x3FAC] =	sst s5  }
0xe: {  	[smem:$0x3FAD] =	sst s6  }
0xf: {  	[smem:$0x3FAE] =	sst s7  }
0x10: {  	[smem:$0x3FAF] =	sst s8  }
0x11: {  	[smem:$0x3FB0] =	sst s9;
	s0 =	simm.s32 @!p0 $0x0  }
0x12: {  	s1 =	sld [smem:$0x3F96];
	s0 =	simm.s32 @p0 $0x1  }
0x13: {  	[smem:$0x3FB1] =	sst s0;
	s0 =	simm.s32 @!p1 $0x0  }
0x14: {  	s2 =	sld [smem:$0x3F95];
	s0 =	simm.s32 @p1 $0x1  }
0x15: {  	[smem:$0x3FB2] =	sst s0;
	s0 =	simm.s32 @!p2 $0x0  }
0x16: {  	s3 =	sld [smem:$0x3FDB];
	s0 =	simm.s32 @p2 $0x1  }
0x17: {  	s4 =	simm.s32 $0x1BF5;
	[smem:$0x3FB4] =	sst s0  }
0x18: {  	s0 =	sld [smem:$0x3F97];
	_ =	swait.ge [sflag:s4], $0x0  }
0x19: {  	s7 =	sld [smem:$0x3F98]  }
0x1a: {  	s8 =	sadd.s32 $0xFFFFE003, lr  }
0x1b: {  	s9 =	sadd.s32 $0xFFFFFEF7, lr;
	s5 =	simm.s32 $0xFFFFFFFF;
	p2 =	slt.u32 s8, $0xFFFFF086  }
0x1c: {  	p1 =	slt.u32 s9, $0xF7A;
	s5 =	simm.s32 @!p2 $0x0  }
0x1d: {  	s5 =	simm.s32 @p1 $0x1;
	p0 =	seq.s32 s7, s2  }
0x1e: {  	s7 =	smul.u32 @!p0 $0xF7A, s2;
	p2 =	seq.s32 @!p0 s5, $0x0  }
0x1f: {  	s9 =	smul.u32 $0xF7A, s1;
	s8 =	simm.s32 @!p0 $0x1BF5;
	p2 =	por !p2, p0  }
0x20: {  	[sflag:s8] =	ssyncset.s32 @!p0 $0xFFFFF086;
	s6 =	sadd.s32 @!p0 s3, s7;
	s7 =	simm.s32 @!p0 $0x108  }
0x21: {  	s3 =	sadd.s32 s3, s9;
	s6 =	sadd.s32 @!p0 $0x88, s6;
	s7 =	simm.s32 @p2 $0x1082  }
0x22: {  	[simem:s7], [sflag:s8] =	dma.local @!p0 [hbm:s6], $0xF7A  }
0x23: {  	s9 =	sor.u32 $0xD0000000, s2;
	s6 =	simm.s32 $0x108;
	_ =	swait.ge @!p0 [sflag:s8], $0x0  }
0x24: {  	s3 =	sadd.s32 $0x88, s3;
	s6 =	simm.s32 @!p1 $0x1082;
	[sflag:s4] =	ssyncset.s32 $0xFFFFF086  }
0x25: {  	[simem:s6], [sflag:s4] =	dma.local [hbm:s3], $0xF7A  }
0x26: {  	[smem:$0x3F98] =	sst s1;
	(tag) =	ssettag s2;
	_ =	strace s9  }
0x27: {  	s1 =	sld [smem:$0x3FA8]  }
0x28: {  	s2 =	sld [smem:$0x3FA9]  }
0x29: {  	s4 =	sld [smem:$0x3FAB]  }
0x2a: {  	p0 =	seq.s32 s5, $0x0;
	s5 =	sld [smem:$0x3FAC]  }
0x2b: {  	s6 =	sld [smem:$0x3FAD]  }
0x2c: {  	s7 =	sld [smem:$0x3FAE]  }
0x2d: {  	s3 =	simm.s32 $0x108;
	s8 =	sld [smem:$0x3FAF]  }
0x2e: {  	s3 =	simm.s32 @!p0 $0x1082;
	s9 =	sld [smem:$0x3FB0]  }
0x2f: {  	lr =	sadd.s32 s0, s3;
	s0 =	sld [smem:$0x3FA7]  }
0x30: {  	s3 =	sld [smem:$0x3FAA]  }
0x31: {  	[smem:$0x3FB3] =	sst s10  }
0x32: {  	s10 =	sld [smem:$0x3FB1];
	_ =	sdelay $0x3  }
0x33: {  	p0 =	seq.s32 s10, $0x1;
	s10 =	sld [smem:$0x3FB3];
	_ =	sdelay $0x3  }
0x34: {  	[smem:$0x3FB3] =	sst s10  }
0x35: {  	s10 =	sld [smem:$0x3FB2];
	_ =	sdelay $0x3  }
0x36: {  	p1 =	seq.s32 s10, $0x1;
	s10 =	sld [smem:$0x3FB3];
	_ =	sdelay $0x3  }
0x37: {  	[smem:$0x3FB3] =	sst s10  }
0x38: {  	s10 =	sld [smem:$0x3FB4]  }
0x39: {  	_ = 	snop;
	(pc) =	sbr.ind lr, $3  }
0x3a: {  	_ = 	snop  }
0x3b: {  	_ = 	snop  }
0x3c: {  	p2 =	seq.s32 s10, $0x1;
	s10 =	sld [smem:$0x3FB3]  }
0x3d: {  	_ =	shalt  }
0x3e: {  	_ =	shalt  }
0x3f: {  	_ =	shalt  }
0x40: {  	_ =	shalt  }
0x41: {  	_ =	shalt  }
0x42: {  	_ =	shalt  }
0x43: {  	_ =	shalt  }
0x44: {  	_ =	shalt  }
0x45: {  	_ =	shalt  }
0x46: {  	_ =	shalt  }
0x47: {  	_ =	shalt  }
0x48: {  	_ =	shalt  }
0x49: {  	_ =	shalt  }
0x4a: {  	_ =	shalt  }
0x4b: {  	_ =	shalt  }
0x4c: {  	_ =	shalt  }
0x4d: {  	_ =	shalt  }
0x4e: {  	_ =	shalt  }
0x4f: {  	_ =	shalt  }
0x50: {  	_ =	shalt  }
0x51: {  	_ =	shalt  }
0x52: {  	_ =	shalt  }
0x53: {  	_ =	shalt  }
0x54: {  	_ =	shalt  }
0x55: {  	_ =	shalt  }
0x56: {  	_ =	shalt  }
0x57: {  	_ =	shalt  }
0x58: {  	_ =	shalt  }
0x59: {  	_ =	shalt  }
0x5a: {  	_ =	shalt  }
0x5b: {  	_ =	shalt  }
0x5c: {  	_ =	shalt  }
0x5d: {  	_ =	shalt  }
0x5e: {  	_ =	shalt  }
0x5f: {  	_ =	shalt  }
0x60: {  	_ =	shalt  }
0x61: {  	_ =	shalt  }
0x62: {  	_ =	shalt  }
0x63: {  	_ =	shalt  }
0x64: {  	_ =	shalt  }
0x65: {  	_ =	shalt  }
0x66: {  	_ =	shalt  }
0x67: {  	_ =	shalt  }
0x68: {  	_ =	shalt  }
0x69: {  	_ =	shalt  }
0x6a: {  	_ =	shalt  }
0x6b: {  	_ =	shalt  }
0x6c: {  	_ =	shalt  }
0x6d: {  	_ =	shalt  }
0x6e: {  	_ =	shalt  }
0x6f: {  	_ =	shalt  }
0x70: {  	_ =	shalt  }
0x71: {  	_ =	shalt  }
0x72: {  	_ =	shalt  }
0x73: {  	_ =	shalt  }
0x74: {  	_ =	shalt  }
0x75: {  	_ =	shalt  }
0x76: {  	_ =	shalt  }
0x77: {  	_ =	shalt  }
0x78: {  	_ =	shalt  }
0x79: {  	_ =	shalt  }
0x7a: {  	_ =	shalt  }
0x7b: {  	_ =	shalt  }
0x7c: {  	_ =	shalt  }
0x7d: {  	_ =	shalt  }
0x7e: {  	_ =	shalt  }
0x7f: {  	_ =	shalt  }
0x80: {  	_ =	shalt  }
0x81: {  	_ =	shalt  }
0x82: {  	_ =	shalt  }
0x83: {  	_ =	shalt  }
0x84: {  	_ =	shalt  }
0x85: {  	_ =	shalt  }
0x86: {  	_ =	shalt  }
0x87: {  	_ =	shalt  }
.Lfunc_end0:
.L_simem_size_0:
called_computation_lowered:
.L_overlay_start_0:
0x88: {  	s2 =	sld [smem:$0x3FD9]  }
0x89: {  	s3 =	sld [smem:$0x3FFE];
	_ =	sdelay $0x1  }
0x8a: {  	s1 =	srdreg.scid  }
0x8b: {  	s0 =	sand.u32 $0x1, s1  }
0x8c: {  	s14 =	sshll.u32 s0, $0xA;
	s2 =	sadd.s32 s3, s2  }
0x8d: {  	s2 =	sadd.s32 s2, s14  }
0x8e: {  	[smem:$0x3FBF] =	sst s2  }
0x8f: {  	_ = 	snop  }
0x90: {  	s2 =	sld [smem:$0x3FD0];
	_ =	sdelay $0x2  }
0x91: {  	s15 =	simm.s32 $0xA;
	s4 =	simm.s32 $0x10  }
0x92: {  	[smem:s4], [sflag:s15] =	dma.local [hbm:s2], $0x1  }
0x93: {  	_ =	swait.eq [sflag:s15], $0x1  }
0x94: {  	[sflag:s15] =	ssyncset.done $0x0  }
0x95: {  	[sflag:s15] =	ssyncadd.s32 $0xFFFFFFFF  }
0x96: {  	s16 =	sld [smem:$0x10];
	(tm) =	ssettm $0x1  }
0x97: {  	s17 =	sld [smem:$0x3FFB];
	_ =	sdelay $0x3  }
0x98: {  	_ =	strace s17  }
0x99: {  	s3 =	sld [smem:$0x3FFC];
	_ =	sdelay $0x3  }
0x9a: {  	_ =	strace s3  }
0x9b: {  	s3 =	sld [smem:$0x3FFD];
	_ =	sdelay $0x3  }
0x9c: {  	_ =	strace s3  }
0x9d: {  	_ =	strace $0x8FFFFFFF  }
0x9e: {  	s18 =	sld [smem:$0x3FDB];
	_ =	sdelay $0x1  }
0x9f: {  	s19 =	simm.s32 $_scs_section_size  }
0xa0: {  	s5 =	simm.s32 $_size__tile_overlayer_lowered;
	s6 =	simm.s32 $_tile_overlayer_lowered  }
0xa1: {  	s22 =	simm.s32 $0x1BFF;
	s21 =	sshll.u32 s6, $0x1;
	s3 =	sadd.s32 s19, s18  }
0xa2: {  	s7 =	simm.s32 $0x0;
	s20 =	sshll.u32 s5, $0x1;
	s5 =	sadd.s32 s21, s3  }
0xa3: {  	[timem:s7], [sflag:s22] =	dma.local [hbm:s5], s20  }
0xa4: {  	_ =	swait.ge [sflag:s22], s20  }
0xa5: {  	s4 =	ssub.s32 $0x0, s20;
	[sflag:s22] =	ssyncset.done $0x0  }
0xa6: {  	[sflag:s22] =	ssyncadd.s32 s4;
	_ =	sdelay $0x1  }
0xa7: {  	s23 =	simm.s32 $0x1B8B  }
0xa8: {  	_ =	swait.ge [sflag:s23], $0x1  }
0xa9: {  	[sflag:s23] =	ssyncset.done $0x0  }
0xaa: {  	s25 =	simm.s32 $0x1B8E;
	s24 =	sld [smem:$0x3FFE];
	[sflag:s23] =	ssyncadd.s32 $0xFFFFFFFF  }
0xab: {  	s26 =	simm.s32 $execute0_lowered;
	[smem:$0x3FD2] =	sst s25  }
0xac: {  	s5 =	sshll.u32 s26, $0x1;
	_ =	strace $0x80000046;
	[dreg:$0x1] =	wrdreg $0xFFFFFFFF  }
0xad: {  	s28 =	simm.s32 $_size_execute0_lowered;
	s3 =	sadd.s32 s3, s5;
	[dreg:$0x0] =	wrdreg $0x0  }
0xae: {  	s5 =	sshll.u32 s28, $0x1;
	[dreg:$0x2] =	wrdreg s3  }
0xaf: {  	[dreg:$0x3] =	wrdreg s5  }
0xb0: {  	[dreg:$0x4] =	wrdreg $0xC0  }
0xb1: {  	_ =	task [dreg:s7], $0x5FFFF  }
0xb2: {  	[dreg:$0x1] =	wrdreg $0xFFFFFFFF  }
0xb3: {  	[dreg:$0x0] =	wrdreg $0x60  }
0xb4: {  	[dreg:$0x2] =	wrdreg s16  }
0xb5: {  	[dreg:$0x3] =	wrdreg s24  }
0xb6: {  	[dreg:$0x4] =	wrdreg $0x1800  }
0xb7: {  	[dreg:$0x5] =	wrdreg $0x9  }
0xb8: {  	_ =	task.clear_ibuf [dreg:s7], $0x6FFFF;
	_ =	strace $0x90000046  }
0xb9: {  	s29 =	simm.s32 $0x9;
	_ =	strace $0x80000048  }
0xba: {  	_ =	swait.ge [sflag:s29], $0x1  }
0xbb: {  	[sflag:s29] =	ssyncadd.s32 $0xFFFFFFFF  }
0xbc: {  	_ =	strace $0x90000048  }
0xbd: {  	_ =	sfence  }
0xbe: {  	s30 =	sld [smem:$0x0];
	_ =	sdelay $0x2  }
0xbf: {  	s31 =	sshll.u32 s1, $0xD;
	s1 =	sshrl.u32 s1, $0x2  }
0xc0: {  	s3 =	sand.u32 $0x4000, s31;
	s1 =	sadd.s32 s1, s30  }
0xc1: {  	s0 =	sor.u32 s3, s0;
	s1 =	sshll.u32 s1, $0x11  }
0xc2: {  	s0 =	sor.u32 s1, s0  }
0xc3: {  	s0 =	sadd.s32 $0x8F2B, s0  }
0xc4: {  	[sflag:s0] =	ssyncadd.remote.s32 $0x1  }
0xc5: {  	_ =	sfence.sel $0xFFFF  }
0xc6: {  	[dreg:$0x0] =	wrdreg $0xFFFFFFFF;
	(pc) =	sbr.abs _section_cstart, $3  }
0xc7: {  	[dreg:$0x1] =	wrdreg $0xFFFFFFFF  }
0xc8: {  	_ =	task.clear_ibuf [dreg:s7], $0x2FFFF;
	_ =	strace $0x9FFFFFFF  }
0xc9: {  	(tm) =	ssettm $0x7FFFFFFF  }
tec
execute0_lowered:
.L_overlay_start_1:
0x0: {  	(tag) =	ssettag $0x1  }
0x1: {  	s1 =	rddreg [dreg:$0x0]  }
0x2: {  	s7 =	rddreg [dreg:$0x1]  }
0x3: {  	s3 =	rddreg [dreg:$0x2]  }
0x4: {  	s0 =	rddreg [dreg:$0x3];
	s4 =	simm.s32 $0x0;
	s5 =	srdreg.scid  }
0x5: {  	s2 =	stileid.u32;
	s17 =	simm.s32 $0x80;
	s18 =	simm.s32 $0x1  }
0x6: {  	s19 =	simm.s32 $0x2;
	s20 =	simm.s32 $0x20;
	s21 =	simm.s32 $0x10  }
0x7: {  	s22 =	simm.s32 $0x0;
	[smem:$0x7FF] =	sst s4;
	s6 =	smul.u32 $0x500, s2  }
0x8: {  	s8 =	sand.u32 $0x1, s5;
	s5 =	sadd.s32 $0xC600, s7;
	s11 =	smul.u32 $0x9E00, s2  }
0x9: {  	s13 =	smul.u32 $0xA00, s2;
	s15 =	sshll.u32 s2, $0x6;
	_ =	strace $0x80000047  }
0xa: {  	s9 =	sshll.u32 s8, $0x7;
	s8 =	ssub.s32 $0x2, s8;
	s15 =	sor.u32 $0x1C03, s15  }
0xb: {  	s10 =	sor.u32 s9, s6;
	s6 =	sadd.s32 $0xC800, s7;
	s12 =	sshrl.u32 s8, $0x1  }
0xc: {  	s14 =	sor.u32 s9, s11;
	s31 =	sshrl.u32 s13, $0x2;
	s13 =	simm.s32 $0x100  }
0xd: {  	s10 =	sshrl.u32 s10, $0x3;
	s29 =	ssub.s32 s8, s12;
	s30 =	sshrl.u32 s14, $0x3  }
0xe: {  	s11 =	sadd.s32 $0x300, s14;
	s16 =	sadd.s32 s31, s3;
	s12 =	sadd.s32 $0x200, s14  }
0xf: {  	s14 =	simm.s32 $0x3;
	s28 =	sadd.s32 s10, s7;
	s7 =	sadd.s32 s1, s30  }
0x10: {  	s11 =	sshrl.u32 s11, $0x3;
	s10 =	smax.u32 s29, $0x1;
	s16 =	sshrl.u32 s16, $0x3  }
0x11: {  	s8 =	sadd.s32 $0x20, s7;
	s9 =	sadd.s32 $0xCA00, s28;
	s11 =	sadd.s32 s11, s1  }
.LBB2_1:
0x12: {  	[tilespmem:s13], [sflag:$0x3] =	stream.linear.gather [hbm4b:s5+s4], $0x80, $0x38;
	[tilespmem:$0x400] =	vst v63  }
0x13: {  	_ =	swait.ge [sflag:s14], $0x80  }
0x14: {  	[sflag:s14] =	ssyncset.done $0x0  }
0x15: {  	[sflag:s14] =	ssyncadd.s32 $0xFFFFFF80  }
0x16: {  	[spmem:s16], [sflag:s15] =	dma.local [hbm:s6], $0x50  }
0x17: {  	_ =	swait.ge [sflag:s14], $0x50  }
0x18: {  	[sflag:s14] =	ssyncset.done $0x0  }
0x19: {  	[sflag:s14] =	ssyncadd.s32 $0xFFFFFFB0  }
0x1a: {  	[tilespmem:s4], [sflag:$0x1] =	stream.linear.gather [hbm4b:s7+s4], $0x80, $0x38;
	[tilespmem:$0x400] =	vst v63  }
0x1b: {  	_ = 	snop  }
0x1c: {  	[tilespmem:s17], [sflag:$0x2] =	stream.linear.gather [hbm4b:s8+s4], $0x80, $0x38;
	[tilespmem:$0x400] =	vst v63  }
0x1d: {  	[bflag:$0x0] =	sbarrier.arrive $0xFFFF  }
0x1e: {  	_ =	swait.ge [sflag:s18], $0x80  }
0x1f: {  	[sflag:s18] =	ssyncset.done $0x0  }
0x20: {  	[sflag:s18] =	ssyncadd.s32 $0xFFFFFF80  }
0x21: {  	[spmem:s3] =	stream.indirect.scatter.add.f32 [tilespmem:s13], [sflag:$0x3], $0x1, s4, s17, $0xb8;
	[tilespmem:$0x400] =	vst v63  }
0x22: {  	_ =	swait.ge [sflag:s14], $0x80  }
0x23: {  	s23 =	sshrl.u32 s12, $0x3;
	[sflag:s14] =	ssyncset.done $0x0  }
0x24: {  	s23 =	sadd.s32 s1, s23;
	[sflag:s14] =	ssyncadd.s32 $0xFFFFFF80  }
0x25: {  	[tilespmem:s4], [sflag:$0x1] =	stream.linear.gather [hbm4b:s23+s4], $0x80, $0x38;
	[tilespmem:$0x400] =	vst v63  }
0x26: {  	_ =	swait.ge [sflag:s19], $0x80  }
0x27: {  	[sflag:s19] =	ssyncset.done $0x0  }
0x28: {  	[sflag:s19] =	ssyncadd.s32 $0xFFFFFF80  }
0x29: {  	[spmem:s3] =	stream.indirect.scatter.add.f32 [tilespmem:s13], [sflag:$0x3], $0x1, s17, s17, $0xb8;
	[tilespmem:$0x400] =	vst v63  }
0x2a: {  	_ =	swait.ge [sflag:s14], $0x80  }
0x2b: {  	s25 =	sadd.s32 $0x0, s11;
	[sflag:s14] =	ssyncset.done $0x0  }
0x2c: {  	s24 =	sadd.s32 $0x200, s12;
	s23 =	simm.s32 $0x40;
	[sflag:s14] =	ssyncadd.s32 $0xFFFFFF80  }
.LBB2_2:
0x2d: {  	[tilespmem:s17], [sflag:$0x2] =	stream.linear.gather [hbm4b:s25+s4], $0x80, $0x38;
	[tilespmem:$0x400] =	vst v63  }
0x2e: {  	s25 =	smov.u32 s23  }
0x2f: {  	p0 =	sne.s32 s23, $0x1380;
	s23 =	sadd.s32 $0x40, s23;
	_ =	swait.ge [sflag:s18], $0x80  }
0x30: {  	[sflag:s18] =	ssyncset.done $0x0  }
0x31: {  	[sflag:s18] =	ssyncadd.s32 $0xFFFFFF80  }
0x32: {  	[spmem:s3] =	stream.indirect.scatter.add.f32 [tilespmem:s13], [sflag:$0x3], $0x1, s4, s17, $0xb8;
	[tilespmem:$0x400] =	vst v63  }
0x33: {  	_ =	swait.ge [sflag:s14], $0x80  }
0x34: {  	s26 =	sshrl.u32 s24, $0x3;
	[sflag:s14] =	ssyncset.done $0x0  }
0x35: {  	s26 =	sadd.s32 s1, s26;
	[sflag:s14] =	ssyncadd.s32 $0xFFFFFF80  }
0x36: {  	[tilespmem:s4], [sflag:$0x1] =	stream.linear.gather [hbm4b:s26+s4], $0x80, $0x38;
	[tilespmem:$0x400] =	vst v63  }
0x37: {  	_ =	swait.ge [sflag:s19], $0x80  }
0x38: {  	[sflag:s19] =	ssyncset.done $0x0  }
.Ltmp0:
0x39: {  	[sflag:s19] =	ssyncadd.s32 $0xFFFFFF80;
	(pc) =	sbr.rel @p0 .LBB2_2-.Ltmp0, $4  }
0x3a: {  	[spmem:s3] =	stream.indirect.scatter.add.f32 [tilespmem:s13], [sflag:$0x3], $0x1, s17, s17, $0xb8;
	[tilespmem:$0x400] =	vst v63  }
0x3b: {  	_ =	swait.ge [sflag:s14], $0x80  }
0x3c: {  	[sflag:s14] =	ssyncset.done $0x0  }
0x3d: {  	s24 =	sadd.s32 $0x200, s24;
	s25 =	sadd.s32 s25, s11;
	[sflag:s14] =	ssyncadd.s32 $0xFFFFFF80  }
0x3e: {  	[tilespmem:s17], [sflag:$0x2] =	stream.linear.gather [hbm4b:s25+s4], $0x80, $0x38;
	[tilespmem:$0x400] =	vst v63  }
0x3f: {  	_ =	swait.ge [sflag:s18], $0x80  }
0x40: {  	[sflag:s18] =	ssyncset.done $0x0  }
0x41: {  	[sflag:s18] =	ssyncadd.s32 $0xFFFFFF80  }
0x42: {  	_ =	swait.ge [sflag:s19], $0x80  }
0x43: {  	s22 =	sadd.s32 $0x1, s22;
	[sflag:s19] =	ssyncset.done $0x0  }
0x44: {  	p0 =	sne.s32 s22, s10;
	[sflag:s19] =	ssyncadd.s32 $0xFFFFFF80  }
.Ltmp1:
0x45: {  	[bflag:$0x0] =	sbarrier.arrive $0xFFFF;
	(pc) =	sbr.rel @p0 .LBB2_1-.Ltmp1, $4  }
0x46: {  	[hbm:s9@s20], [sflag:s15] =	dma.strided [spmem:s16@s21], $0x50, s18, $0x10   }
0x47: {  	_ =	swait.ge [sflag:s14], $0x50  }
0x48: {  	[sflag:s14] =	ssyncset.done $0x0  }
0x49: {  	[sflag:s14] =	ssyncadd.s32 $0xFFFFFFB0  }
0x4a: {  	_ =	sfence.sel $0x180000  }
0x4b: {  	[bflag:$0x0] =	sbarrier.arrive $0xFFFF  }
0x4c: {  	p0 =	sne.s32 s2, $0x0;
	_ =	strace $0x90000047  }
0x4d: {  	s0 =	sadd.s32 @!p0 $0x100000, s0;
	[bflag:$0x2] =	sbarrier.arrive $0xFFFF  }
0x4e: {  	[sflag:s0] =	ssyncadd.tile.s32 @!p0 $0x1;
	_ =	shalt  }
.Lfunc_end2:
_tile_overlayer_lowered:
.L_overlay_start_2:
0x4f: {  	(tag) =	ssettag $0x2  }
0x50: {  	s0 =	rddreg [dreg:$0x0];
	s2 =	stileid.u32  }
0x51: {  	s1 =	rddreg [dreg:$0x1];
	p0 =	sne.s32 s2, $0x0  }
0x52: {  	s3 =	rddreg [dreg:$0x2];
	[bflag:$0x3] =	sbarrier.arrive $0xFFFF;
	s2 =	simm.s32 @!p0 $0x1C03  }
0x53: {  	[timem:s3], [sflag:s2] =	dma.local @!p0 [hbm:s0], s1  }
0x54: {  	s0 =	simm.s32 @!p0 $0x3  }
0x55: {  	_ =	swait.ge @!p0 [sflag:s0], s1  }
0x56: {  	s1 =	ssub.s32 @!p0 $0x0, s1;
	[sflag:s0] =	ssyncset.done @!p0 $0x0  }
0x57: {  	[sflag:s0] =	ssyncadd.s32 @!p0 s1  }
0x58: {  	[bflag:$0x3] =	sbarrier.arrive $0xFFFF  }
0x59: {  	_ =	shalt  }

// kernel: kernel.13.cloned.1.call-start
scs
__scs_entry_jumppad:
0x0: {  	(pc) =	sbr.rel $0x88, $3  }
0x1: {  	(tag) =	ssettag $0x0;
	lr =	simm.s32 $0x1  }
0x2: {  	[smem:$0x3F98] =	sst lr;
	_ =	strace $0xD0000000  }
0x3: {  	_ = 	snop  }
0x4: {  	_ = 	snop  }
0x5: {  	_ = 	snop  }
0x6: {  	_ = 	snop  }
0x7: {  	_ = 	snop  }
__scs_overlays_trampoline_lowered:
0x8: {  	[smem:$0x3FA7] =	sst s0  }
0x9: {  	[smem:$0x3FA8] =	sst s1  }
0xa: {  	[smem:$0x3FA9] =	sst s2  }
0xb: {  	[smem:$0x3FAA] =	sst s3  }
0xc: {  	[smem:$0x3FAB] =	sst s4  }
0xd: {  	[smem:$0x3FAC] =	sst s5  }
0xe: {  	[smem:$0x3FAD] =	sst s6  }
0xf: {  	[smem:$0x3FAE] =	sst s7  }
0x10: {  	[smem:$0x3FAF] =	sst s8  }
0x11: {  	[smem:$0x3FB0] =	sst s9;
	s0 =	simm.s32 @!p0 $0x0  }
0x12: {  	s1 =	sld [smem:$0x3F96];
	s0 =	simm.s32 @p0 $0x1  }
0x13: {  	[smem:$0x3FB1] =	sst s0;
	s0 =	simm.s32 @!p1 $0x0  }
0x14: {  	s2 =	sld [smem:$0x3F95];
	s0 =	simm.s32 @p1 $0x1  }
0x15: {  	[smem:$0x3FB2] =	sst s0;
	s0 =	simm.s32 @!p2 $0x0  }
0x16: {  	s3 =	sld [smem:$0x3FDB];
	s0 =	simm.s32 @p2 $0x1  }
0x17: {  	s4 =	simm.s32 $0x1BF5;
	[smem:$0x3FB4] =	sst s0  }
0x18: {  	s0 =	sld [smem:$0x3F97];
	_ =	swait.ge [sflag:s4], $0x0  }
0x19: {  	s7 =	sld [smem:$0x3F98]  }
0x1a: {  	s8 =	sadd.s32 $0xFFFFE003, lr  }
0x1b: {  	s9 =	sadd.s32 $0xFFFFFEF7, lr;
	s5 =	simm.s32 $0xFFFFFFFF;
	p2 =	slt.u32 s8, $0xFFFFF086  }
0x1c: {  	p1 =	slt.u32 s9, $0xF7A;
	s5 =	simm.s32 @!p2 $0x0  }
0x1d: {  	s5 =	simm.s32 @p1 $0x1;
	p0 =	seq.s32 s7, s2  }
0x1e: {  	s7 =	smul.u32 @!p0 $0xF7A, s2;
	p2 =	seq.s32 @!p0 s5, $0x0  }
0x1f: {  	s9 =	smul.u32 $0xF7A, s1;
	s8 =	simm.s32 @!p0 $0x1BF5;
	p2 =	por !p2, p0  }
0x20: {  	[sflag:s8] =	ssyncset.s32 @!p0 $0xFFFFF086;
	s6 =	sadd.s32 @!p0 s3, s7;
	s7 =	simm.s32 @!p0 $0x108  }
0x21: {  	s3 =	sadd.s32 s3, s9;
	s6 =	sadd.s32 @!p0 $0x88, s6;
	s7 =	simm.s32 @p2 $0x1082  }
0x22: {  	[simem:s7], [sflag:s8] =	dma.local @!p0 [hbm:s6], $0xF7A  }
0x23: {  	s9 =	sor.u32 $0xD0000000, s2;
	s6 =	simm.s32 $0x108;
	_ =	swait.ge @!p0 [sflag:s8], $0x0  }
0x24: {  	s3 =	sadd.s32 $0x88, s3;
	s6 =	simm.s32 @!p1 $0x1082;
	[sflag:s4] =	ssyncset.s32 $0xFFFFF086  }
0x25: {  	[simem:s6], [sflag:s4] =	dma.local [hbm:s3], $0xF7A  }
0x26: {  	[smem:$0x3F98] =	sst s1;
	(tag) =	ssettag s2;
	_ =	strace s9  }
0x27: {  	s1 =	sld [smem:$0x3FA8]  }
0x28: {  	s2 =	sld [smem:$0x3FA9]  }
0x29: {  	s4 =	sld [smem:$0x3FAB]  }
0x2a: {  	p0 =	seq.s32 s5, $0x0;
	s5 =	sld [smem:$0x3FAC]  }
0x2b: {  	s6 =	sld [smem:$0x3FAD]  }
0x2c: {  	s7 =	sld [smem:$0x3FAE]  }
0x2d: {  	s3 =	simm.s32 $0x108;
	s8 =	sld [smem:$0x3FAF]  }
0x2e: {  	s3 =	simm.s32 @!p0 $0x1082;
	s9 =	sld [smem:$0x3FB0]  }
0x2f: {  	lr =	sadd.s32 s0, s3;
	s0 =	sld [smem:$0x3FA7]  }
0x30: {  	s3 =	sld [smem:$0x3FAA]  }
0x31: {  	[smem:$0x3FB3] =	sst s10  }
0x32: {  	s10 =	sld [smem:$0x3FB1];
	_ =	sdelay $0x3  }
0x33: {  	p0 =	seq.s32 s10, $0x1;
	s10 =	sld [smem:$0x3FB3];
	_ =	sdelay $0x3  }
0x34: {  	[smem:$0x3FB3] =	sst s10  }
0x35: {  	s10 =	sld [smem:$0x3FB2];
	_ =	sdelay $0x3  }
0x36: {  	p1 =	seq.s32 s10, $0x1;
	s10 =	sld [smem:$0x3FB3];
	_ =	sdelay $0x3  }
0x37: {  	[smem:$0x3FB3] =	sst s10  }
0x38: {  	s10 =	sld [smem:$0x3FB4]  }
0x39: {  	_ = 	snop;
	(pc) =	sbr.ind lr, $3  }
0x3a: {  	_ = 	snop  }
0x3b: {  	_ = 	snop  }
0x3c: {  	p2 =	seq.s32 s10, $0x1;
	s10 =	sld [smem:$0x3FB3]  }
0x3d: {  	_ =	shalt  }
0x3e: {  	_ =	shalt  }
0x3f: {  	_ =	shalt  }
0x40: {  	_ =	shalt  }
0x41: {  	_ =	shalt  }
0x42: {  	_ =	shalt  }
0x43: {  	_ =	shalt  }
0x44: {  	_ =	shalt  }
0x45: {  	_ =	shalt  }
0x46: {  	_ =	shalt  }
0x47: {  	_ =	shalt  }
0x48: {  	_ =	shalt  }
0x49: {  	_ =	shalt  }
0x4a: {  	_ =	shalt  }
0x4b: {  	_ =	shalt  }
0x4c: {  	_ =	shalt  }
0x4d: {  	_ =	shalt  }
0x4e: {  	_ =	shalt  }
0x4f: {  	_ =	shalt  }
0x50: {  	_ =	shalt  }
0x51: {  	_ =	shalt  }
0x52: {  	_ =	shalt  }
0x53: {  	_ =	shalt  }
0x54: {  	_ =	shalt  }
0x55: {  	_ =	shalt  }
0x56: {  	_ =	shalt  }
0x57: {  	_ =	shalt  }
0x58: {  	_ =	shalt  }
0x59: {  	_ =	shalt  }
0x5a: {  	_ =	shalt  }
0x5b: {  	_ =	shalt  }
0x5c: {  	_ =	shalt  }
0x5d: {  	_ =	shalt  }
0x5e: {  	_ =	shalt  }
0x5f: {  	_ =	shalt  }
0x60: {  	_ =	shalt  }
0x61: {  	_ =	shalt  }
0x62: {  	_ =	shalt  }
0x63: {  	_ =	shalt  }
0x64: {  	_ =	shalt  }
0x65: {  	_ =	shalt  }
0x66: {  	_ =	shalt  }
0x67: {  	_ =	shalt  }
0x68: {  	_ =	shalt  }
0x69: {  	_ =	shalt  }
0x6a: {  	_ =	shalt  }
0x6b: {  	_ =	shalt  }
0x6c: {  	_ =	shalt  }
0x6d: {  	_ =	shalt  }
0x6e: {  	_ =	shalt  }
0x6f: {  	_ =	shalt  }
0x70: {  	_ =	shalt  }
0x71: {  	_ =	shalt  }
0x72: {  	_ =	shalt  }
0x73: {  	_ =	shalt  }
0x74: {  	_ =	shalt  }
0x75: {  	_ =	shalt  }
0x76: {  	_ =	shalt  }
0x77: {  	_ =	shalt  }
0x78: {  	_ =	shalt  }
0x79: {  	_ =	shalt  }
0x7a: {  	_ =	shalt  }
0x7b: {  	_ =	shalt  }
0x7c: {  	_ =	shalt  }
0x7d: {  	_ =	shalt  }
0x7e: {  	_ =	shalt  }
0x7f: {  	_ =	shalt  }
0x80: {  	_ =	shalt  }
0x81: {  	_ =	shalt  }
0x82: {  	_ =	shalt  }
0x83: {  	_ =	shalt  }
0x84: {  	_ =	shalt  }
0x85: {  	_ =	shalt  }
0x86: {  	_ =	shalt  }
0x87: {  	_ =	shalt  }
.Lfunc_end0:
.L_simem_size_0:
called_computation.1_lowered:
.L_overlay_start_0:
0x88: {  	s2 =	sld [smem:$0x3FD9]  }
0x89: {  	s3 =	sld [smem:$0x3FFE];
	_ =	sdelay $0x1  }
0x8a: {  	s1 =	srdreg.scid  }
0x8b: {  	s0 =	sand.u32 $0x1, s1  }
0x8c: {  	s14 =	sshll.u32 s0, $0xA;
	s2 =	sadd.s32 s3, s2  }
0x8d: {  	s2 =	sadd.s32 s2, s14  }
0x8e: {  	[smem:$0x3FBF] =	sst s2  }
0x8f: {  	_ = 	snop  }
0x90: {  	s2 =	sld [smem:$0x3FD0];
	_ =	sdelay $0x2  }
0x91: {  	s15 =	simm.s32 $0xA;
	s4 =	simm.s32 $0x10  }
0x92: {  	[smem:s4], [sflag:s15] =	dma.local [hbm:s2], $0x1  }
0x93: {  	_ =	swait.eq [sflag:s15], $0x1  }
0x94: {  	[sflag:s15] =	ssyncset.done $0x0  }
0x95: {  	s16 =	sld [smem:$0x10];
	[sflag:s15] =	ssyncadd.s32 $0xFFFFFFFF  }
0x96: {  	s17 =	sld [smem:$0x11];
	(tm) =	ssettm $0x1  }
0x97: {  	s18 =	sld [smem:$0x3FFB];
	_ =	sdelay $0x3  }
0x98: {  	_ =	strace s18  }
0x99: {  	s4 =	sld [smem:$0x3FFC];
	_ =	sdelay $0x3  }
0x9a: {  	_ =	strace s4  }
0x9b: {  	s4 =	sld [smem:$0x3FFD];
	_ =	sdelay $0x3  }
0x9c: {  	_ =	strace s4  }
0x9d: {  	_ =	strace $0x8FFFFFFF  }
0x9e: {  	s19 =	sld [smem:$0x3FDB];
	_ =	sdelay $0x1  }
0x9f: {  	s5 =	simm.s32 $_scs_section_size  }
0xa0: {  	s6 =	simm.s32 $_size__tile_overlayer_lowered;
	s7 =	simm.s32 $_tile_overlayer_lowered  }
0xa1: {  	s22 =	simm.s32 $0x1BFF;
	s21 =	sshll.u32 s7, $0x1;
	s4 =	sadd.s32 s5, s19  }
0xa2: {  	s8 =	simm.s32 $0x0;
	s20 =	sshll.u32 s6, $0x1;
	s6 =	sadd.s32 s21, s4  }
0xa3: {  	[timem:s8], [sflag:s22] =	dma.local [hbm:s6], s20  }
0xa4: {  	_ =	swait.ge [sflag:s22], s20  }
0xa5: {  	s5 =	ssub.s32 $0x0, s20;
	[sflag:s22] =	ssyncset.done $0x0  }
0xa6: {  	[sflag:s22] =	ssyncadd.s32 s5;
	_ =	sdelay $0x1  }
0xa7: {  	s23 =	simm.s32 $0x1B8B  }
0xa8: {  	_ =	swait.ge [sflag:s23], $0x1  }
0xa9: {  	[sflag:s23] =	ssyncset.done $0x0  }
0xaa: {  	s25 =	simm.s32 $0x1B8E;
	s24 =	sld [smem:$0x3FFE];
	[sflag:s23] =	ssyncadd.s32 $0xFFFFFFFF  }
0xab: {  	s26 =	simm.s32 $execute0_lowered;
	[smem:$0x3FD2] =	sst s25  }
0xac: {  	s6 =	sshll.u32 s26, $0x1;
	_ =	strace $0x80000049;
	[dreg:$0x1] =	wrdreg $0xFFFFFFFF  }
0xad: {  	s28 =	simm.s32 $_size_execute0_lowered;
	s4 =	sadd.s32 s4, s6;
	[dreg:$0x0] =	wrdreg $0x0  }
0xae: {  	s6 =	sshll.u32 s28, $0x1;
	[dreg:$0x2] =	wrdreg s4  }
0xaf: {  	[dreg:$0x3] =	wrdreg s6  }
0xb0: {  	[dreg:$0x4] =	wrdreg $0xC0  }
0xb1: {  	_ =	task [dreg:s8], $0x5FFFF  }
0xb2: {  	[dreg:$0x1] =	wrdreg $0xFFFFFFFF  }
0xb3: {  	[dreg:$0x0] =	wrdreg $0x60  }
0xb4: {  	[dreg:$0x2] =	wrdreg s24  }
0xb5: {  	[dreg:$0x3] =	wrdreg s17  }
0xb6: {  	[dreg:$0x4] =	wrdreg s16  }
0xb7: {  	[dreg:$0x5] =	wrdreg $0x82000  }
0xb8: {  	[dreg:$0x6] =	wrdreg $0x9  }
0xb9: {  	_ =	task.clear_ibuf [dreg:s8], $0x7FFFF;
	_ =	strace $0x90000049  }
0xba: {  	s29 =	simm.s32 $0x9;
	_ =	strace $0x8000004B  }
0xbb: {  	_ =	swait.ge [sflag:s29], $0x1  }
0xbc: {  	[sflag:s29] =	ssyncadd.s32 $0xFFFFFFFF  }
0xbd: {  	_ =	strace $0x9000004B  }
0xbe: {  	_ =	sfence  }
0xbf: {  	s30 =	sld [smem:$0x0];
	_ =	sdelay $0x2  }
0xc0: {  	s31 =	sshll.u32 s1, $0xD;
	s1 =	sshrl.u32 s1, $0x2  }
0xc1: {  	s3 =	sand.u32 $0x4000, s31;
	s1 =	sadd.s32 s1, s30  }
0xc2: {  	s0 =	sor.u32 s3, s0;
	s1 =	sshll.u32 s1, $0x11  }
0xc3: {  	s0 =	sor.u32 s1, s0  }
0xc4: {  	s0 =	sadd.s32 $0x8F2B, s0  }
0xc5: {  	[sflag:s0] =	ssyncadd.remote.s32 $0x1  }
0xc6: {  	_ =	sfence.sel $0xFFFF  }
0xc7: {  	[dreg:$0x0] =	wrdreg $0xFFFFFFFF;
	(pc) =	sbr.abs _section_cstart, $3  }
0xc8: {  	[dreg:$0x1] =	wrdreg $0xFFFFFFFF  }
0xc9: {  	_ =	task.clear_ibuf [dreg:s8], $0x2FFFF;
	_ =	strace $0x9FFFFFFF  }
0xca: {  	(tm) =	ssettm $0x7FFFFFFF  }
0xcb: {  	_ =	shalt  }
tec
execute0_lowered:
.L_overlay_start_1:
0x0: {  	(tag) =	ssettag $0x1  }
0x1: {  	s0 =	rddreg [dreg:$0x0]  }
0x2: {  	s1 =	rddreg [dreg:$0x1]  }
0x3: {  	s4 =	rddreg [dreg:$0x3];
	s14 =	stileid.u32  }
0x4: {  	s2 =	srdreg.scid;
	s3 =	smul.u32 $0x2800, s14  }
0x5: {  	s5 =	simm.s32 $0x0;
	s28 =	simm.s32 $0x2;
	s8 =	smul.u32 $0x50000, s14  }
0x6: {  	s29 =	simm.s32 $0x4200;
	s30 =	simm.s32 $0x5;
	s10 =	smul.u32 $0x4F00, s14  }
0x7: {  	s31 =	simm.s32 $0x3;
	s2 =	sand.u32 $0x1, s2;
	s19 =	smul.u32 $0x9E00, s14  }
0x8: {  	[smem:$0x7FF] =	sst s5;
	s6 =	sadd.s32 $0xAD400, s0;
	s23 =	smul.u32 $0x9E0, s14  }
0x9: {  	s9 =	sadd.s32 $0x2600, s0;
	s7 =	smul.u32 $0x28000, s2;
	_ =	strace $0x8000004A  }
0xa: {  	s15 =	ssub.s32 $0x2, s2;
	s2 =	sshll.u32 s2, $0x7;
	s16 =	sshrl.u32 s8, $0x2  }
0xb: {  	s17 =	sshrl.u32 s15, $0x1;
	s20 =	sshrl.u32 s10, $0x7;
	s8 =	sor.u32 s2, s19  }
0xc: {  	s10 =	sshrl.u32 s10, $0x3;
	s24 =	sadd.s32 s23, s9;
	s23 =	simm.s32 $0x100  }
0xd: {  	s3 =	sadd.s32 s3, s7;
	s7 =	sadd.s32 s16, s4;
	s22 =	sshrl.u32 s8, $0x3  }
0xe: {  	s10 =	sadd.s32 s9, s10;
	s25 =	sadd.s32 $0x300, s8;
	s0 =	sadd.s32 s3, s0  }
0xf: {  	s3 =	ssub.s32 s15, s17;
	s18 =	sadd.s32 $0x4000, s7;
	[dreg:$0xa] =	wrdreg s10  }
0x10: {  	s11 =	sadd.s32 $0x8000, s7;
	s12 =	sadd.s32 $0xC000, s7;
	[dreg:$0x5] =	wrdreg s18  }
0x11: {  	s21 =	sadd.s32 $0x10000, s7;
	s26 =	sshrl.u32 s25, $0x3;
	[dreg:$0x6] =	wrdreg s11  }
0x12: {  	s25 =	simm.s32 $0x180;
	[dreg:$0x7] =	wrdreg s12;
	s11 =	sor.u32 $0x1, s20  }
0x13: {  	[dreg:$0x8] =	wrdreg s21;
	s12 =	sadd.s32 s1, s22;
	s16 =	sadd.s32 $0xFD400, s0  }
0x14: {  	s17 =	smax.u32 s3, $0x1;
	s19 =	sadd.s32 s26, s1;
	s20 =	sadd.s32 $0x200, s8  }
0x15: {  	s21 =	simm.s32 $0x200;
	s22 =	simm.s32 $0x7;
	s26 =	simm.s32 $0x1  }
0x16: {  	s0 =	simm.s32 $0x6;
	s3 =	simm.s32 $0x4;
	s13 =	sshll.u32 s11, $0x8  }
0x17: {  	[dreg:$0x9] =	wrdreg s12;
	s11 =	sshll.u32 s11, $0x4;
	s2 =	sor.u32 s2, s13  }
0x18: {  	s15 =	sadd.s32 s9, s11;
	s11 =	sadd.s32 $0x30, s24;
	s2 =	sshrl.u32 s2, $0x3  }
0x19: {  	s24 =	simm.s32 $0x80;
	s14 =	sadd.s32 s1, s2;
	s2 =	simm.s32 $0x0  }
.LBB2_1:
0x1a: {  	s8 =	rddreg [dreg:$0x2]  }
0x1b: {  	[tilespmem:s21], [sflag:$0x7] =	stream.linear.gather [hbm4b:s8+s5], $0x4000, $0x38;
	[tilespmem:$0x1C200] =	vst v63  }
0x1c: {  	_ =	swait.ge [sflag:s22], $0x4000  }
0x1d: {  	[sflag:s22] =	ssyncset.done $0x0  }
0x1e: {  	[sflag:s22] =	ssyncadd.s32 $0xFFFFC000  }
0x1f: {  	[spmem:s7] =	stream.linear.scatter [tilespmem:s21], [sflag:$0x7], $0x4000, $0x38;
	[tilespmem:$0x1C200] =	vst v63  }
0x20: {  	_ =	swait.ge [sflag:s22], $0x4000  }
0x21: {  	[sflag:s22] =	ssyncset.done $0x0  }
0x22: {  	s10 =	rddreg [dreg:$0x5];
	[sflag:s22] =	ssyncadd.s32 $0xFFFFC000  }
0x23: {  	[spmem:s10] =	stream.linear.scatter [tilespmem:s21], [sflag:$0x7], $0x4000, $0x38;
	[tilespmem:$0x1C200] =	vst v63  }
0x24: {  	_ =	swait.ge [sflag:s22], $0x4000  }
0x25: {  	[sflag:s22] =	ssyncset.done $0x0  }
0x26: {  	s12 =	rddreg [dreg:$0x6];
	[sflag:s22] =	ssyncadd.s32 $0xFFFFC000  }
0x27: {  	[spmem:s12] =	stream.linear.scatter [tilespmem:s21], [sflag:$0x7], $0x4000, $0x38;
	[tilespmem:$0x1C200] =	vst v63  }
0x28: {  	_ =	swait.ge [sflag:s22], $0x4000  }
0x29: {  	[sflag:s22] =	ssyncset.done $0x0  }
0x2a: {  	s13 =	rddreg [dreg:$0x7];
	[sflag:s22] =	ssyncadd.s32 $0xFFFFC000  }
0x2b: {  	[spmem:s13] =	stream.linear.scatter [tilespmem:s21], [sflag:$0x7], $0x4000, $0x38;
	[tilespmem:$0x1C200] =	vst v63  }
0x2c: {  	_ =	swait.ge [sflag:s22], $0x4000  }
0x2d: {  	[sflag:s22] =	ssyncset.done $0x0  }
0x2e: {  	s18 =	rddreg [dreg:$0x8];
	[sflag:s22] =	ssyncadd.s32 $0xFFFFC000  }
0x2f: {  	[spmem:s18] =	stream.linear.scatter [tilespmem:s21], [sflag:$0x7], $0x4000, $0x38;
	[tilespmem:$0x1C200] =	vst v63  }
0x30: {  	_ =	swait.ge [sflag:s22], $0x4000  }
0x31: {  	[sflag:s22] =	ssyncset.done $0x0  }
0x32: {  	s9 =	rddreg [dreg:$0x9];
	[sflag:s22] =	ssyncadd.s32 $0xFFFFC000  }
0x33: {  	[tilespmem:s5], [sflag:$0x1] =	stream.linear.gather [hbm4b:s9+s5], $0x80, $0x38;
	[tilespmem:$0x1C200] =	vst v63  }
0x34: {  	s10 =	rddreg [dreg:$0xa]  }
0x35: {  	[tilespmem:s23], [sflag:$0x3] =	stream.linear.gather [hbm4b:s10+s5], $0x80, $0x38;
	[tilespmem:$0x1C200] =	vst v63  }
0x36: {  	_ = 	snop  }
0x37: {  	[tilespmem:s24], [sflag:$0x2] =	stream.linear.gather [hbm4b:s14+s5], $0x80, $0x38;
	[tilespmem:$0x1C200] =	vst v63  }
0x38: {  	_ = 	snop  }
0x39: {  	[tilespmem:s25], [sflag:$0x4] =	stream.linear.gather [hbm4b:s15+s5], $0x80, $0x38;
	[tilespmem:$0x1C200] =	vst v63  }
0x3a: {  	[bflag:$0x0] =	sbarrier.arrive $0xFFFF  }
0x3b: {  	_ =	swait.ge [sflag:s26], $0x80  }
0x3c: {  	[sflag:s26] =	ssyncset.done $0x0  }
0x3d: {  	[sflag:s26] =	ssyncadd.s32 $0xFFFFFF80  }
0x3e: {  	[tilespmem:s21], [sflag:$0x5] =	stream.indirect.gather [hbm4b:s6+s24], $0x80, s5, s24, $0xb8;
	[tilespmem:$0x1C200] =	vst v63  }
0x3f: {  	_ =	swait.ge [sflag:s28], $0x80  }
0x40: {  	[sflag:s28] =	ssyncset.done $0x0  }
0x41: {  	[sflag:s28] =	ssyncadd.s32 $0xFFFFFF80  }
0x42: {  	[tilespmem:s29], [sflag:$0x6] =	stream.indirect.gather [hbm4b:s6+s24], $0x80, s24, s24, $0xb8;
	[tilespmem:$0x1C200] =	vst v63  }
0x43: {  	_ =	swait.ge [sflag:s30], $0x4000  }
0x44: {  	[sflag:s30] =	ssyncset.done $0x0  }
0x45: {  	[sflag:s30] =	ssyncadd.s32 $0xFFFFC000  }
0x46: {  	_ =	swait.ge [sflag:s31], $0x80  }
0x47: {  	[sflag:s31] =	ssyncset.done $0x0  }
0x48: {  	[sflag:s31] =	ssyncadd.s32 $0xFFFFFF80  }
0x49: {  	[spmem:s4] =	stream.indirect.scatter.add.f32 [tilespmem:s21], [sflag:$0x7], $0x80, s23, s24, $0xb8;
	[tilespmem:$0x1C200] =	vst v63  }
0x4a: {  	_ =	swait.ge [sflag:s22], $0x4000  }
0x4b: {  	s12 =	sshrl.u32 s20, $0x3;
	[sflag:s22] =	ssyncset.done $0x0  }
0x4c: {  	s8 =	sadd.s32 s1, s12;
	[sflag:s22] =	ssyncadd.s32 $0xFFFFC000  }
0x4d: {  	[tilespmem:s5], [sflag:$0x1] =	stream.linear.gather [hbm4b:s8+s5], $0x80, $0x38;
	[tilespmem:$0x1C200] =	vst v63  }
0x4e: {  	s13 =	sadd.s32 $0xFFFFFFF0, s11  }
0x4f: {  	[tilespmem:s23], [sflag:$0x3] =	stream.linear.gather [hbm4b:s13+s5], $0x80, $0x38;
	[tilespmem:$0x1C200] =	vst v63  }
0x50: {  	_ =	swait.ge [sflag:s0], $0x4000  }
0x51: {  	[sflag:s0] =	ssyncset.done $0x0  }
0x52: {  	[sflag:s0] =	ssyncadd.s32 $0xFFFFC000  }
0x53: {  	_ =	swait.ge [sflag:s3], $0x80  }
0x54: {  	[sflag:s3] =	ssyncset.done $0x0  }
0x55: {  	[sflag:s3] =	ssyncadd.s32 $0xFFFFFF80  }
0x56: {  	[spmem:s4] =	stream.indirect.scatter.add.f32 [tilespmem:s29], [sflag:$0x7], $0x80, s25, s24, $0xb8;
	[tilespmem:$0x1C200] =	vst v63  }
0x57: {  	_ =	swait.ge [sflag:s22], $0x4000  }
0x58: {  	[sflag:s22] =	ssyncset.done $0x0  }
0x59: {  	s18 =	sadd.s32 $0x0, s19;
	s9 =	sadd.s32 $0x20, s11;
	[sflag:s22] =	ssyncadd.s32 $0xFFFFC000  }
0x5a: {  	[tilespmem:s24], [sflag:$0x2] =	stream.linear.gather [hbm4b:s18+s5], $0x80, $0x38;
	[tilespmem:$0x1C200] =	vst v63  }
0x5b: {  	s10 =	sadd.s32 $0x200, s20;
	s8 =	simm.s32 $0x40;
	s18 =	smov.u32 s11  }
.LBB2_2:
0x5c: {  	[tilespmem:s25], [sflag:$0x4] =	stream.linear.gather [hbm4b:s18+s5], $0x80, $0x38;
	[tilespmem:$0x1C200] =	vst v63  }
0x5d: {  	s12 =	smov.u32 s8;
	s18 =	smov.u32 s9  }
0x5e: {  	p0 =	sne.s32 s8, $0x1380;
	s8 =	sadd.s32 $0x40, s8;
	_ =	swait.ge [sflag:s26], $0x80  }
0x5f: {  	[sflag:s26] =	ssyncset.done $0x0  }
0x60: {  	[sflag:s26] =	ssyncadd.s32 $0xFFFFFF80  }
0x61: {  	[tilespmem:s21], [sflag:$0x5] =	stream.indirect.gather [hbm4b:s6+s24], $0x80, s5, s24, $0xb8;
	[tilespmem:$0x1C200] =	vst v63  }
0x62: {  	_ =	swait.ge [sflag:s28], $0x80  }
0x63: {  	[sflag:s28] =	ssyncset.done $0x0  }
0x64: {  	[sflag:s28] =	ssyncadd.s32 $0xFFFFFF80  }
0x65: {  	[tilespmem:s29], [sflag:$0x6] =	stream.indirect.gather [hbm4b:s6+s24], $0x80, s24, s24, $0xb8;
	[tilespmem:$0x1C200] =	vst v63  }
0x66: {  	_ =	swait.ge [sflag:s30], $0x4000  }
0x67: {  	[sflag:s30] =	ssyncset.done $0x0  }
0x68: {  	[sflag:s30] =	ssyncadd.s32 $0xFFFFC000  }
0x69: {  	_ =	swait.ge [sflag:s31], $0x80  }
0x6a: {  	[sflag:s31] =	ssyncset.done $0x0  }
0x6b: {  	[sflag:s31] =	ssyncadd.s32 $0xFFFFFF80  }
0x6c: {  	[spmem:s4] =	stream.indirect.scatter.add.f32 [tilespmem:s21], [sflag:$0x7], $0x80, s23, s24, $0xb8;
	[tilespmem:$0x1C200] =	vst v63  }
0x6d: {  	_ =	swait.ge [sflag:s22], $0x4000  }
0x6e: {  	s13 =	sshrl.u32 s10, $0x3;
	[sflag:s22] =	ssyncset.done $0x0  }
0x6f: {  	s13 =	sadd.s32 s1, s13;
	[sflag:s22] =	ssyncadd.s32 $0xFFFFC000  }
0x70: {  	[tilespmem:s5], [sflag:$0x1] =	stream.linear.gather [hbm4b:s13+s5], $0x80, $0x38;
	[tilespmem:$0x1C200] =	vst v63  }
0x71: {  	s13 =	sadd.s32 $0xFFFFFFF0, s9  }
0x72: {  	[tilespmem:s23], [sflag:$0x3] =	stream.linear.gather [hbm4b:s13+s5], $0x80, $0x38;
	[tilespmem:$0x1C200] =	vst v63  }
0x73: {  	_ =	swait.ge [sflag:s0], $0x4000  }
0x74: {  	[sflag:s0] =	ssyncset.done $0x0  }
0x75: {  	[sflag:s0] =	ssyncadd.s32 $0xFFFFC000  }
0x76: {  	_ =	swait.ge [sflag:s3], $0x80  }
0x77: {  	[sflag:s3] =	ssyncset.done $0x0  }
0x78: {  	[sflag:s3] =	ssyncadd.s32 $0xFFFFFF80  }
0x79: {  	[spmem:s4] =	stream.indirect.scatter.add.f32 [tilespmem:s29], [sflag:$0x7], $0x80, s25, s24, $0xb8;
	[tilespmem:$0x1C200] =	vst v63  }
.Ltmp0:
0x7a: {  	_ =	swait.ge [sflag:s22], $0x4000;
	(pc) =	sbr.rel @p0 .LBB2_2-.Ltmp0, $4  }
0x7b: {  	[sflag:s22] =	ssyncset.done $0x0  }
0x7c: {  	s12 =	sadd.s32 s12, s19;
	[sflag:s22] =	ssyncadd.s32 $0xFFFFC000  }
0x7d: {  	[tilespmem:s24], [sflag:$0x2] =	stream.linear.gather [hbm4b:s12+s5], $0x80, $0x38;
	[tilespmem:$0x1C200] =	vst v63  }
0x7e: {  	s10 =	sadd.s32 $0x200, s10;
	s9 =	sadd.s32 $0x20, s9  }
0x7f: {  	[tilespmem:s25], [sflag:$0x4] =	stream.linear.gather [hbm4b:s18+s5], $0x80, $0x38;
	[tilespmem:$0x1C200] =	vst v63  }
0x80: {  	_ =	swait.ge [sflag:s26], $0x80  }
0x81: {  	[sflag:s26] =	ssyncset.done $0x0  }
0x82: {  	[sflag:s26] =	ssyncadd.s32 $0xFFFFFF80  }
0x83: {  	_ =	swait.ge [sflag:s31], $0x80  }
0x84: {  	[sflag:s31] =	ssyncset.done $0x0  }
0x85: {  	[sflag:s31] =	ssyncadd.s32 $0xFFFFFF80  }
0x86: {  	_ =	swait.ge [sflag:s28], $0x80  }
0x87: {  	[sflag:s28] =	ssyncset.done $0x0  }
0x88: {  	[sflag:s28] =	ssyncadd.s32 $0xFFFFFF80  }
0x89: {  	s8 =	stileid.u32;
	_ =	swait.ge [sflag:s3], $0x80  }
0x8a: {  	s9 =	sshrl.u32 s7, $0x3;
	s2 =	sadd.s32 $0x1, s2;
	[sflag:s3] =	ssyncset.done $0x0  }
0x8b: {  	s8 =	sshll.u32 s8, $0x6;
	p0 =	sne.s32 s2, s17;
	[sflag:s3] =	ssyncadd.s32 $0xFFFFFF80  }
.Ltmp1:
0x8c: {  	s8 =	sor.u32 $0x1C07, s8;
	[bflag:$0x0] =	sbarrier.arrive $0xFFFF;
	(pc) =	sbr.rel @p0 .LBB2_1-.Ltmp1, $4  }
0x8d: {  	[hbm:s16], [sflag:s8] =	dma.local [spmem:s9], $0x2800  }
0x8e: {  	_ =	swait.ge [sflag:s22], $0x2800  }
0x8f: {  	[sflag:s22] =	ssyncset.done $0x0  }
0x90: {  	[sflag:s22] =	ssyncadd.s32 $0xFFFFD800  }
0x91: {  	_ =	sfence.sel $0x180000  }
0x92: {  	[bflag:$0x0] =	sbarrier.arrive $0xFFFF  }
0x93: {  	_ =	strace $0x9000004A  }
0x94: {  	s0 =	stileid.u32;
	[bflag:$0x2] =	sbarrier.arrive $0xFFFF  }
0x95: {  	p0 =	sne.s32 s0, $0x0;
	s0 =	rddreg [dreg:$0x4]  }
0x96: {  	s0 =	sadd.s32 @!p0 $0x100000, s0  }
0x97: {  	[sflag:s0] =	ssyncadd.tile.s32 @!p0 $0x1;
	_ =	shalt  }
.Lfunc_end2:
_tile_overlayer_lowered:
.L_overlay_start_2:
0x98: {  	(tag) =	ssettag $0x2  }
0x99: {  	s0 =	rddreg [dreg:$0x0];
	s2 =	stileid.u32  }
0x9a: {  	s1 =	rddreg [dreg:$0x1];
	p0 =	sne.s32 s2, $0x0  }
0x9b: {  	s3 =	rddreg [dreg:$0x2];
	[bflag:$0x3] =	sbarrier.arrive $0xFFFF;
	s2 =	simm.s32 @!p0 $0x1C07  }
0x9c: {  	[timem:s3], [sflag:s2] =	dma.local @!p0 [hbm:s0], s1  }
0x9d: {  	s0 =	simm.s32 @!p0 $0x7  }
0x9e: {  	_ =	swait.ge @!p0 [sflag:s0], s1  }
0x9f: {  	s1 =	ssub.s32 @!p0 $0x0, s1;
	[sflag:s0] =	ssyncset.done @!p0 $0x0  }
0xa0: {  	[sflag:s0] =	ssyncadd.s32 @!p0 s1  }
0xa1: {  	[bflag:$0x3] =	sbarrier.arrive $0xFFFF  }
0xa2: {  	_ =	shalt  }

// kernel: kernel.16.cloned.1.call-start
scs
__scs_entry_jumppad:
0x0: {  	(pc) =	sbr.rel $0x88, $3  }
0x1: {  	(tag) =	ssettag $0x0;
	lr =	simm.s32 $0x1  }
0x2: {  	[smem:$0x3F98] =	sst lr;
	_ =	strace $0xD0000000  }
0x3: {  	_ = 	snop  }
0x4: {  	_ = 	snop  }
0x5: {  	_ = 	snop  }
0x6: {  	_ = 	snop  }
0x7: {  	_ = 	snop  }
__scs_overlays_trampoline_lowered:
0x8: {  	[smem:$0x3FA7] =	sst s0  }
0x9: {  	[smem:$0x3FA8] =	sst s1  }
0xa: {  	[smem:$0x3FA9] =	sst s2  }
0xb: {  	[smem:$0x3FAA] =	sst s3  }
0xc: {  	[smem:$0x3FAB] =	sst s4  }
0xd: {  	[smem:$0x3FAC] =	sst s5  }
0xe: {  	[smem:$0x3FAD] =	sst s6  }
0xf: {  	[smem:$0x3FAE] =	sst s7  }
0x10: {  	[smem:$0x3FAF] =	sst s8  }
0x11: {  	[smem:$0x3FB0] =	sst s9;
	s0 =	simm.s32 @!p0 $0x0  }
0x12: {  	s1 =	sld [smem:$0x3F96];
	s0 =	simm.s32 @p0 $0x1  }
0x13: {  	[smem:$0x3FB1] =	sst s0;
	s0 =	simm.s32 @!p1 $0x0  }
0x14: {  	s2 =	sld [smem:$0x3F95];
	s0 =	simm.s32 @p1 $0x1  }
0x15: {  	[smem:$0x3FB2] =	sst s0;
	s0 =	simm.s32 @!p2 $0x0  }
0x16: {  	s3 =	sld [smem:$0x3FDB];
	s0 =	simm.s32 @p2 $0x1  }
0x17: {  	s4 =	simm.s32 $0x1BF5;
	[smem:$0x3FB4] =	sst s0  }
0x18: {  	s0 =	sld [smem:$0x3F97];
	_ =	swait.ge [sflag:s4], $0x0  }
0x19: {  	s7 =	sld [smem:$0x3F98]  }
0x1a: {  	s8 =	sadd.s32 $0xFFFFE003, lr  }
0x1b: {  	s9 =	sadd.s32 $0xFFFFFEF7, lr;
	s5 =	simm.s32 $0xFFFFFFFF;
	p2 =	slt.u32 s8, $0xFFFFF086  }
0x1c: {  	p1 =	slt.u32 s9, $0xF7A;
	s5 =	simm.s32 @!p2 $0x0  }
0x1d: {  	s5 =	simm.s32 @p1 $0x1;
	p0 =	seq.s32 s7, s2  }
0x1e: {  	s7 =	smul.u32 @!p0 $0xF7A, s2;
	p2 =	seq.s32 @!p0 s5, $0x0  }
0x1f: {  	s9 =	smul.u32 $0xF7A, s1;
	s8 =	simm.s32 @!p0 $0x1BF5;
	p2 =	por !p2, p0  }
0x20: {  	[sflag:s8] =	ssyncset.s32 @!p0 $0xFFFFF086;
	s6 =	sadd.s32 @!p0 s3, s7;
	s7 =	simm.s32 @!p0 $0x108  }
0x21: {  	s3 =	sadd.s32 s3, s9;
	s6 =	sadd.s32 @!p0 $0x88, s6;
	s7 =	simm.s32 @p2 $0x1082  }
0x22: {  	[simem:s7], [sflag:s8] =	dma.local @!p0 [hbm:s6], $0xF7A  }
0x23: {  	s9 =	sor.u32 $0xD0000000, s2;
	s6 =	simm.s32 $0x108;
	_ =	swait.ge @!p0 [sflag:s8], $0x0  }
0x24: {  	s3 =	sadd.s32 $0x88, s3;
	s6 =	simm.s32 @!p1 $0x1082;
	[sflag:s4] =	ssyncset.s32 $0xFFFFF086  }
0x25: {  	[simem:s6], [sflag:s4] =	dma.local [hbm:s3], $0xF7A  }
0x26: {  	[smem:$0x3F98] =	sst s1;
	(tag) =	ssettag s2;
	_ =	strace s9  }
0x27: {  	s1 =	sld [smem:$0x3FA8]  }
0x28: {  	s2 =	sld [smem:$0x3FA9]  }
0x29: {  	s4 =	sld [smem:$0x3FAB]  }
0x2a: {  	p0 =	seq.s32 s5, $0x0;
	s5 =	sld [smem:$0x3FAC]  }
0x2b: {  	s6 =	sld [smem:$0x3FAD]  }
0x2c: {  	s7 =	sld [smem:$0x3FAE]  }
0x2d: {  	s3 =	simm.s32 $0x108;
	s8 =	sld [smem:$0x3FAF]  }
0x2e: {  	s3 =	simm.s32 @!p0 $0x1082;
	s9 =	sld [smem:$0x3FB0]  }
0x2f: {  	lr =	sadd.s32 s0, s3;
	s0 =	sld [smem:$0x3FA7]  }
0x30: {  	s3 =	sld [smem:$0x3FAA]  }
0x31: {  	[smem:$0x3FB3] =	sst s10  }
0x32: {  	s10 =	sld [smem:$0x3FB1];
	_ =	sdelay $0x3  }
0x33: {  	p0 =	seq.s32 s10, $0x1;
	s10 =	sld [smem:$0x3FB3];
	_ =	sdelay $0x3  }
0x34: {  	[smem:$0x3FB3] =	sst s10  }
0x35: {  	s10 =	sld [smem:$0x3FB2];
	_ =	sdelay $0x3  }
0x36: {  	p1 =	seq.s32 s10, $0x1;
	s10 =	sld [smem:$0x3FB3];
	_ =	sdelay $0x3  }
0x37: {  	[smem:$0x3FB3] =	sst s10  }
0x38: {  	s10 =	sld [smem:$0x3FB4]  }
0x39: {  	_ = 	snop;
	(pc) =	sbr.ind lr, $3  }
0x3a: {  	_ = 	snop  }
0x3b: {  	_ = 	snop  }
0x3c: {  	p2 =	seq.s32 s10, $0x1;
	s10 =	sld [smem:$0x3FB3]  }
0x3d: {  	_ =	shalt  }
0x3e: {  	_ =	shalt  }
0x3f: {  	_ =	shalt  }
0x40: {  	_ =	shalt  }
0x41: {  	_ =	shalt  }
0x42: {  	_ =	shalt  }
0x43: {  	_ =	shalt  }
0x44: {  	_ =	shalt  }
0x45: {  	_ =	shalt  }
0x46: {  	_ =	shalt  }
0x47: {  	_ =	shalt  }
0x48: {  	_ =	shalt  }
0x49: {  	_ =	shalt  }
0x4a: {  	_ =	shalt  }
0x4b: {  	_ =	shalt  }
0x4c: {  	_ =	shalt  }
0x4d: {  	_ =	shalt  }
0x4e: {  	_ =	shalt  }
0x4f: {  	_ =	shalt  }
0x50: {  	_ =	shalt  }
0x51: {  	_ =	shalt  }
0x52: {  	_ =	shalt  }
0x53: {  	_ =	shalt  }
0x54: {  	_ =	shalt  }
0x55: {  	_ =	shalt  }
0x56: {  	_ =	shalt  }
0x57: {  	_ =	shalt  }
0x58: {  	_ =	shalt  }
0x59: {  	_ =	shalt  }
0x5a: {  	_ =	shalt  }
0x5b: {  	_ =	shalt  }
0x5c: {  	_ =	shalt  }
0x5d: {  	_ =	shalt  }
0x5e: {  	_ =	shalt  }
0x5f: {  	_ =	shalt  }
0x60: {  	_ =	shalt  }
0x61: {  	_ =	shalt  }
0x62: {  	_ =	shalt  }
0x63: {  	_ =	shalt  }
0x64: {  	_ =	shalt  }
0x65: {  	_ =	shalt  }
0x66: {  	_ =	shalt  }
0x67: {  	_ =	shalt  }
0x68: {  	_ =	shalt  }
0x69: {  	_ =	shalt  }
0x6a: {  	_ =	shalt  }
0x6b: {  	_ =	shalt  }
0x6c: {  	_ =	shalt  }
0x6d: {  	_ =	shalt  }
0x6e: {  	_ =	shalt  }
0x6f: {  	_ =	shalt  }
0x70: {  	_ =	shalt  }
0x71: {  	_ =	shalt  }
0x72: {  	_ =	shalt  }
0x73: {  	_ =	shalt  }
0x74: {  	_ =	shalt  }
0x75: {  	_ =	shalt  }
0x76: {  	_ =	shalt  }
0x77: {  	_ =	shalt  }
0x78: {  	_ =	shalt  }
0x79: {  	_ =	shalt  }
0x7a: {  	_ =	shalt  }
0x7b: {  	_ =	shalt  }
0x7c: {  	_ =	shalt  }
0x7d: {  	_ =	shalt  }
0x7e: {  	_ =	shalt  }
0x7f: {  	_ =	shalt  }
0x80: {  	_ =	shalt  }
0x81: {  	_ =	shalt  }
0x82: {  	_ =	shalt  }
0x83: {  	_ =	shalt  }
0x84: {  	_ =	shalt  }
0x85: {  	_ =	shalt  }
0x86: {  	_ =	shalt  }
0x87: {  	_ =	shalt  }
.Lfunc_end0:
.L_simem_size_0:
called_computation.2_lowered:
.L_overlay_start_0:
0x88: {  	s2 =	sld [smem:$0x3FD9]  }
0x89: {  	s3 =	sld [smem:$0x3FFE];
	_ =	sdelay $0x1  }
0x8a: {  	s1 =	srdreg.scid  }
0x8b: {  	s0 =	sand.u32 $0x1, s1  }
0x8c: {  	s14 =	sshll.u32 s0, $0xA;
	s2 =	sadd.s32 s3, s2  }
0x8d: {  	s2 =	sadd.s32 s2, s14  }
0x8e: {  	[smem:$0x3FBF] =	sst s2  }
0x8f: {  	_ = 	snop  }
0x90: {  	s2 =	sld [smem:$0x3FD0];
	_ =	sdelay $0x2  }
0x91: {  	s15 =	simm.s32 $0xA;
	s4 =	simm.s32 $0x10  }
0x92: {  	[smem:s4], [sflag:s15] =	dma.local [hbm:s2], $0x1  }
0x93: {  	_ =	swait.eq [sflag:s15], $0x1  }
0x94: {  	[sflag:s15] =	ssyncset.done $0x0  }
0x95: {  	s16 =	sld [smem:$0x10];
	[sflag:s15] =	ssyncadd.s32 $0xFFFFFFFF  }
0x96: {  	s17 =	sld [smem:$0x11];
	(tm) =	ssettm $0x1  }
0x97: {  	s18 =	sld [smem:$0x3FFB];
	_ =	sdelay $0x3  }
0x98: {  	_ =	strace s18  }
0x99: {  	s4 =	sld [smem:$0x3FFC];
	_ =	sdelay $0x3  }
0x9a: {  	_ =	strace s4  }
0x9b: {  	s4 =	sld [smem:$0x3FFD];
	_ =	sdelay $0x3  }
0x9c: {  	_ =	strace s4  }
0x9d: {  	_ =	strace $0x8FFFFFFF  }
0x9e: {  	s19 =	sld [smem:$0x3FDB];
	_ =	sdelay $0x1  }
0x9f: {  	s5 =	simm.s32 $_scs_section_size  }
0xa0: {  	s6 =	simm.s32 $_size__tile_overlayer_lowered;
	s7 =	simm.s32 $_tile_overlayer_lowered  }
0xa1: {  	s22 =	simm.s32 $0x1BFF;
	s21 =	sshll.u32 s7, $0x1;
	s4 =	sadd.s32 s5, s19  }
0xa2: {  	s8 =	simm.s32 $0x0;
	s20 =	sshll.u32 s6, $0x1;
	s6 =	sadd.s32 s21, s4  }
0xa3: {  	[timem:s8], [sflag:s22] =	dma.local [hbm:s6], s20  }
0xa4: {  	_ =	swait.ge [sflag:s22], s20  }
0xa5: {  	s5 =	ssub.s32 $0x0, s20;
	[sflag:s22] =	ssyncset.done $0x0  }
0xa6: {  	[sflag:s22] =	ssyncadd.s32 s5;
	_ =	sdelay $0x1  }
0xa7: {  	s23 =	simm.s32 $0x1B8B  }
0xa8: {  	_ =	swait.ge [sflag:s23], $0x1  }
0xa9: {  	[sflag:s23] =	ssyncset.done $0x0  }
0xaa: {  	s25 =	simm.s32 $0x1B8E;
	s24 =	sld [smem:$0x3FFE];
	[sflag:s23] =	ssyncadd.s32 $0xFFFFFFFF  }
0xab: {  	s26 =	simm.s32 $execute0_lowered;
	[smem:$0x3FD2] =	sst s25  }
0xac: {  	s6 =	sshll.u32 s26, $0x1;
	_ =	strace $0x8000004C;
	[dreg:$0x1] =	wrdreg $0xFFFFFFFF  }
0xad: {  	s28 =	simm.s32 $_size_execute0_lowered;
	s4 =	sadd.s32 s4, s6;
	[dreg:$0x0] =	wrdreg $0x0  }
0xae: {  	s6 =	sshll.u32 s28, $0x1;
	[dreg:$0x2] =	wrdreg s4  }
0xaf: {  	[dreg:$0x3] =	wrdreg s6  }
0xb0: {  	[dreg:$0x4] =	wrdreg $0xC0  }
0xb1: {  	_ =	task [dreg:s8], $0x5FFFF  }
0xb2: {  	[dreg:$0x1] =	wrdreg $0xFFFFFFFF  }
0xb3: {  	[dreg:$0x0] =	wrdreg $0x60  }
0xb4: {  	[dreg:$0x2] =	wrdreg s24  }
0xb5: {  	[dreg:$0x3] =	wrdreg s17  }
0xb6: {  	[dreg:$0x4] =	wrdreg s16  }
0xb7: {  	[dreg:$0x5] =	wrdreg $0x82000  }
0xb8: {  	[dreg:$0x6] =	wrdreg $0x9  }
0xb9: {  	_ =	task.clear_ibuf [dreg:s8], $0x7FFFF;
	_ =	strace $0x9000004C  }
0xba: {  	s29 =	simm.s32 $0x9;
	_ =	strace $0x8000004E  }
0xbb: {  	_ =	swait.ge [sflag:s29], $0x1  }
0xbc: {  	[sflag:s29] =	ssyncadd.s32 $0xFFFFFFFF  }
0xbd: {  	_ =	strace $0x9000004E  }
0xbe: {  	_ =	sfence  }
0xbf: {  	s30 =	sld [smem:$0x0];
	_ =	sdelay $0x2  }
0xc0: {  	s31 =	sshll.u32 s1, $0xD;
	s1 =	sshrl.u32 s1, $0x2  }
0xc1: {  	s3 =	sand.u32 $0x4000, s31;
	s1 =	sadd.s32 s1, s30  }
0xc2: {  	s0 =	sor.u32 s3, s0;
	s1 =	sshll.u32 s1, $0x11  }
0xc3: {  	s0 =	sor.u32 s1, s0  }
0xc4: {  	s0 =	sadd.s32 $0x8F2B, s0  }
0xc5: {  	[sflag:s0] =	ssyncadd.remote.s32 $0x1  }
0xc6: {  	_ =	sfence.sel $0xFFFF  }
0xc7: {  	[dreg:$0x0] =	wrdreg $0xFFFFFFFF;
	(pc) =	sbr.abs _section_cstart, $3  }
0xc8: {  	[dreg:$0x1] =	wrdreg $0xFFFFFFFF  }
0xc9: {  	_ =	task.clear_ibuf [dreg:s8], $0x2FFFF;
	_ =	strace $0x9FFFFFFF  }
0xca: {  	(tm) =	ssettm $0x7FFFFFFF  }
0xcb: {  	_ =	shalt  }
tec
execute0_lowered:
.L_overlay_start_1:
0x0: {  	(tag) =	ssettag $0x1  }
0x1: {  	s0 =	rddreg [dreg:$0x0]  }
0x2: {  	s1 =	rddreg [dreg:$0x1]  }
0x3: {  	s4 =	rddreg [dreg:$0x3];
	s14 =	stileid.u32  }
0x4: {  	s2 =	srdreg.scid;
	s3 =	smul.u32 $0x2800, s14  }
0x5: {  	s5 =	simm.s32 $0x0;
	s28 =	simm.s32 $0x2;
	s8 =	smul.u32 $0x50000, s14  }
0x6: {  	s29 =	simm.s32 $0x4200;
	s30 =	simm.s32 $0x5;
	s10 =	smul.u32 $0x4F00, s14  }
0x7: {  	s31 =	simm.s32 $0x3;
	s2 =	sand.u32 $0x1, s2;
	s19 =	smul.u32 $0x9E00, s14  }
0x8: {  	[smem:$0x7FF] =	sst s5;
	s6 =	sadd.s32 $0xC600, s0;
	s23 =	smul.u32 $0x9E0, s14  }
0x9: {  	s9 =	sadd.s32 $0x2600, s0;
	s7 =	smul.u32 $0x28000, s2;
	_ =	strace $0x8000004D  }
0xa: {  	s15 =	ssub.s32 $0x2, s2;
	s2 =	sshll.u32 s2, $0x7;
	s16 =	sshrl.u32 s8, $0x2  }
0xb: {  	s17 =	sshrl.u32 s15, $0x1;
	s20 =	sshrl.u32 s10, $0x7;
	s8 =	sor.u32 s2, s19  }
0xc: {  	s10 =	sshrl.u32 s10, $0x3;
	s24 =	sadd.s32 s23, s9;
	s23 =	simm.s32 $0x100  }
0xd: {  	s3 =	sadd.s32 s3, s7;
	s7 =	sadd.s32 s16, s4;
	s22 =	sshrl.u32 s8, $0x3  }
0xe: {  	s10 =	sadd.s32 s9, s10;
	s25 =	sadd.s32 $0x300, s8;
	s0 =	sadd.s32 s3, s0  }
0xf: {  	s3 =	ssub.s32 s15, s17;
	s18 =	sadd.s32 $0x4000, s7;
	[dreg:$0xa] =	wrdreg s10  }
0x10: {  	s11 =	sadd.s32 $0x8000, s7;
	s12 =	sadd.s32 $0xC000, s7;
	[dreg:$0x5] =	wrdreg s18  }
0x11: {  	s21 =	sadd.s32 $0x10000, s7;
	s26 =	sshrl.u32 s25, $0x3;
	[dreg:$0x6] =	wrdreg s11  }
0x12: {  	s25 =	simm.s32 $0x180;
	[dreg:$0x7] =	wrdreg s12;
	s11 =	sor.u32 $0x1, s20  }
0x13: {  	[dreg:$0x8] =	wrdreg s21;
	s12 =	sadd.s32 s1, s22;
	s16 =	sadd.s32 $0xFD400, s0  }
0x14: {  	s17 =	smax.u32 s3, $0x1;
	s19 =	sadd.s32 s26, s1;
	s20 =	sadd.s32 $0x200, s8  }
0x15: {  	s21 =	simm.s32 $0x200;
	s22 =	simm.s32 $0x7;
	s26 =	simm.s32 $0x1  }
0x16: {  	s0 =	simm.s32 $0x6;
	s3 =	simm.s32 $0x4;
	s13 =	sshll.u32 s11, $0x8  }
0x17: {  	[dreg:$0x9] =	wrdreg s12;
	s11 =	sshll.u32 s11, $0x4;
	s2 =	sor.u32 s2, s13  }
0x18: {  	s15 =	sadd.s32 s9, s11;
	s11 =	sadd.s32 $0x30, s24;
	s2 =	sshrl.u32 s2, $0x3  }
0x19: {  	s24 =	simm.s32 $0x80;
	s14 =	sadd.s32 s1, s2;
	s2 =	simm.s32 $0x0  }
.LBB2_1:
0x1a: {  	s8 =	rddreg [dreg:$0x2]  }
0x1b: {  	[tilespmem:s21], [sflag:$0x7] =	stream.linear.gather [hbm4b:s8+s5], $0x4000, $0x38;
	[tilespmem:$0x1C200] =	vst v63  }
0x1c: {  	_ =	swait.ge [sflag:s22], $0x4000  }
0x1d: {  	[sflag:s22] =	ssyncset.done $0x0  }
0x1e: {  	[sflag:s22] =	ssyncadd.s32 $0xFFFFC000  }
0x1f: {  	[spmem:s7] =	stream.linear.scatter [tilespmem:s21], [sflag:$0x7], $0x4000, $0x38;
	[tilespmem:$0x1C200] =	vst v63  }
0x20: {  	_ =	swait.ge [sflag:s22], $0x4000  }
0x21: {  	[sflag:s22] =	ssyncset.done $0x0  }
0x22: {  	s10 =	rddreg [dreg:$0x5];
	[sflag:s22] =	ssyncadd.s32 $0xFFFFC000  }
0x23: {  	[spmem:s10] =	stream.linear.scatter [tilespmem:s21], [sflag:$0x7], $0x4000, $0x38;
	[tilespmem:$0x1C200] =	vst v63  }
0x24: {  	_ =	swait.ge [sflag:s22], $0x4000  }
0x25: {  	[sflag:s22] =	ssyncset.done $0x0  }
0x26: {  	s12 =	rddreg [dreg:$0x6];
	[sflag:s22] =	ssyncadd.s32 $0xFFFFC000  }
0x27: {  	[spmem:s12] =	stream.linear.scatter [tilespmem:s21], [sflag:$0x7], $0x4000, $0x38;
	[tilespmem:$0x1C200] =	vst v63  }
0x28: {  	_ =	swait.ge [sflag:s22], $0x4000  }
0x29: {  	[sflag:s22] =	ssyncset.done $0x0  }
0x2a: {  	s13 =	rddreg [dreg:$0x7];
	[sflag:s22] =	ssyncadd.s32 $0xFFFFC000  }
0x2b: {  	[spmem:s13] =	stream.linear.scatter [tilespmem:s21], [sflag:$0x7], $0x4000, $0x38;
	[tilespmem:$0x1C200] =	vst v63  }
0x2c: {  	_ =	swait.ge [sflag:s22], $0x4000  }
0x2d: {  	[sflag:s22] =	ssyncset.done $0x0  }
0x2e: {  	s18 =	rddreg [dreg:$0x8];
	[sflag:s22] =	ssyncadd.s32 $0xFFFFC000  }
0x2f: {  	[spmem:s18] =	stream.linear.scatter [tilespmem:s21], [sflag:$0x7], $0x4000, $0x38;
	[tilespmem:$0x1C200] =	vst v63  }
0x30: {  	_ =	swait.ge [sflag:s22], $0x4000  }
0x31: {  	[sflag:s22] =	ssyncset.done $0x0  }
0x32: {  	s9 =	rddreg [dreg:$0x9];
	[sflag:s22] =	ssyncadd.s32 $0xFFFFC000  }
0x33: {  	[tilespmem:s5], [sflag:$0x1] =	stream.linear.gather [hbm4b:s9+s5], $0x80, $0x38;
	[tilespmem:$0x1C200] =	vst v63  }
0x34: {  	s10 =	rddreg [dreg:$0xa]  }
0x35: {  	[tilespmem:s23], [sflag:$0x3] =	stream.linear.gather [hbm4b:s10+s5], $0x80, $0x38;
	[tilespmem:$0x1C200] =	vst v63  }
0x36: {  	_ = 	snop  }
0x37: {  	[tilespmem:s24], [sflag:$0x2] =	stream.linear.gather [hbm4b:s14+s5], $0x80, $0x38;
	[tilespmem:$0x1C200] =	vst v63  }
0x38: {  	_ = 	snop  }
0x39: {  	[tilespmem:s25], [sflag:$0x4] =	stream.linear.gather [hbm4b:s15+s5], $0x80, $0x38;
	[tilespmem:$0x1C200] =	vst v63  }
0x3a: {  	[bflag:$0x0] =	sbarrier.arrive $0xFFFF  }
0x3b: {  	_ =	swait.ge [sflag:s26], $0x80  }
0x3c: {  	[sflag:s26] =	ssyncset.done $0x0  }
0x3d: {  	[sflag:s26] =	ssyncadd.s32 $0xFFFFFF80  }
0x3e: {  	[tilespmem:s21], [sflag:$0x5] =	stream.indirect.gather [hbm4b:s6+s24], $0x80, s5, s24, $0xb8;
	[tilespmem:$0x1C200] =	vst v63  }
0x3f: {  	_ =	swait.ge [sflag:s28], $0x80  }
0x40: {  	[sflag:s28] =	ssyncset.done $0x0  }
0x41: {  	[sflag:s28] =	ssyncadd.s32 $0xFFFFFF80  }
0x42: {  	[tilespmem:s29], [sflag:$0x6] =	stream.indirect.gather [hbm4b:s6+s24], $0x80, s24, s24, $0xb8;
	[tilespmem:$0x1C200] =	vst v63  }
0x43: {  	_ =	swait.ge [sflag:s30], $0x4000  }
0x44: {  	[sflag:s30] =	ssyncset.done $0x0  }
0x45: {  	[sflag:s30] =	ssyncadd.s32 $0xFFFFC000  }
0x46: {  	_ =	swait.ge [sflag:s31], $0x80  }
0x47: {  	[sflag:s31] =	ssyncset.done $0x0  }
0x48: {  	[sflag:s31] =	ssyncadd.s32 $0xFFFFFF80  }
0x49: {  	[spmem:s4] =	stream.indirect.scatter.add.f32 [tilespmem:s21], [sflag:$0x7], $0x80, s23, s24, $0xb8;
	[tilespmem:$0x1C200] =	vst v63  }
0x4a: {  	_ =	swait.ge [sflag:s22], $0x4000  }
0x4b: {  	s12 =	sshrl.u32 s20, $0x3;
	[sflag:s22] =	ssyncset.done $0x0  }
0x4c: {  	s8 =	sadd.s32 s1, s12;
	[sflag:s22] =	ssyncadd.s32 $0xFFFFC000  }
0x4d: {  	[tilespmem:s5], [sflag:$0x1] =	stream.linear.gather [hbm4b:s8+s5], $0x80, $0x38;
	[tilespmem:$0x1C200] =	vst v63  }
0x4e: {  	s13 =	sadd.s32 $0xFFFFFFF0, s11  }
0x4f: {  	[tilespmem:s23], [sflag:$0x3] =	stream.linear.gather [hbm4b:s13+s5], $0x80, $0x38;
	[tilespmem:$0x1C200] =	vst v63  }
0x50: {  	_ =	swait.ge [sflag:s0], $0x4000  }
0x51: {  	[sflag:s0] =	ssyncset.done $0x0  }
0x52: {  	[sflag:s0] =	ssyncadd.s32 $0xFFFFC000  }
0x53: {  	_ =	swait.ge [sflag:s3], $0x80  }
0x54: {  	[sflag:s3] =	ssyncset.done $0x0  }
0x55: {  	[sflag:s3] =	ssyncadd.s32 $0xFFFFFF80  }
0x56: {  	[spmem:s4] =	stream.indirect.scatter.add.f32 [tilespmem:s29], [sflag:$0x7], $0x80, s25, s24, $0xb8;
	[tilespmem:$0x1C200] =	vst v63  }
0x57: {  	_ =	swait.ge [sflag:s22], $0x4000  }
0x58: {  	[sflag:s22] =	ssyncset.done $0x0  }
0x59: {  	s18 =	sadd.s32 $0x0, s19;
	s9 =	sadd.s32 $0x20, s11;
	[sflag:s22] =	ssyncadd.s32 $0xFFFFC000  }
0x5a: {  	[tilespmem:s24], [sflag:$0x2] =	stream.linear.gather [hbm4b:s18+s5], $0x80, $0x38;
	[tilespmem:$0x1C200] =	vst v63  }
0x5b: {  	s10 =	sadd.s32 $0x200, s20;
	s8 =	simm.s32 $0x40;
	s18 =	smov.u32 s11  }
.LBB2_2:
0x5c: {  	[tilespmem:s25], [sflag:$0x4] =	stream.linear.gather [hbm4b:s18+s5], $0x80, $0x38;
	[tilespmem:$0x1C200] =	vst v63  }
0x5d: {  	s12 =	smov.u32 s8;
	s18 =	smov.u32 s9  }
0x5e: {  	p0 =	sne.s32 s8, $0x1380;
	s8 =	sadd.s32 $0x40, s8;
	_ =	swait.ge [sflag:s26], $0x80  }
0x5f: {  	[sflag:s26] =	ssyncset.done $0x0  }
0x60: {  	[sflag:s26] =	ssyncadd.s32 $0xFFFFFF80  }
0x61: {  	[tilespmem:s21], [sflag:$0x5] =	stream.indirect.gather [hbm4b:s6+s24], $0x80, s5, s24, $0xb8;
	[tilespmem:$0x1C200] =	vst v63  }
0x62: {  	_ =	swait.ge [sflag:s28], $0x80  }
0x63: {  	[sflag:s28] =	ssyncset.done $0x0  }
0x64: {  	[sflag:s28] =	ssyncadd.s32 $0xFFFFFF80  }
0x65: {  	[tilespmem:s29], [sflag:$0x6] =	stream.indirect.gather [hbm4b:s6+s24], $0x80, s24, s24, $0xb8;
	[tilespmem:$0x1C200] =	vst v63  }
0x66: {  	_ =	swait.ge [sflag:s30], $0x4000  }
0x67: {  	[sflag:s30] =	ssyncset.done $0x0  }
0x68: {  	[sflag:s30] =	ssyncadd.s32 $0xFFFFC000  }
0x69: {  	_ =	swait.ge [sflag:s31], $0x80  }
0x6a: {  	[sflag:s31] =	ssyncset.done $0x0  }
0x6b: {  	[sflag:s31] =	ssyncadd.s32 $0xFFFFFF80  }
0x6c: {  	[spmem:s4] =	stream.indirect.scatter.add.f32 [tilespmem:s21], [sflag:$0x7], $0x80, s23, s24, $0xb8;
	[tilespmem:$0x1C200] =	vst v63  }
0x6d: {  	_ =	swait.ge [sflag:s22], $0x4000  }
0x6e: {  	s13 =	sshrl.u32 s10, $0x3;
	[sflag:s22] =	ssyncset.done $0x0  }
0x6f: {  	s13 =	sadd.s32 s1, s13;
	[sflag:s22] =	ssyncadd.s32 $0xFFFFC000  }
0x70: {  	[tilespmem:s5], [sflag:$0x1] =	stream.linear.gather [hbm4b:s13+s5], $0x80, $0x38;
	[tilespmem:$0x1C200] =	vst v63  }
0x71: {  	s13 =	sadd.s32 $0xFFFFFFF0, s9  }
0x72: {  	[tilespmem:s23], [sflag:$0x3] =	stream.linear.gather [hbm4b:s13+s5], $0x80, $0x38;
	[tilespmem:$0x1C200] =	vst v63  }
0x73: {  	_ =	swait.ge [sflag:s0], $0x4000  }
0x74: {  	[sflag:s0] =	ssyncset.done $0x0  }
0x75: {  	[sflag:s0] =	ssyncadd.s32 $0xFFFFC000  }
0x76: {  	_ =	swait.ge [sflag:s3], $0x80  }
0x77: {  	[sflag:s3] =	ssyncset.done $0x0  }
0x78: {  	[sflag:s3] =	ssyncadd.s32 $0xFFFFFF80  }
0x79: {  	[spmem:s4] =	stream.indirect.scatter.add.f32 [tilespmem:s29], [sflag:$0x7], $0x80, s25, s24, $0xb8;
	[tilespmem:$0x1C200] =	vst v63  }
.Ltmp0:
0x7a: {  	_ =	swait.ge [sflag:s22], $0x4000;
	(pc) =	sbr.rel @p0 .LBB2_2-.Ltmp0, $4  }
0x7b: {  	[sflag:s22] =	ssyncset.done $0x0  }
0x7c: {  	s12 =	sadd.s32 s12, s19;
	[sflag:s22] =	ssyncadd.s32 $0xFFFFC000  }
0x7d: {  	[tilespmem:s24], [sflag:$0x2] =	stream.linear.gather [hbm4b:s12+s5], $0x80, $0x38;
	[tilespmem:$0x1C200] =	vst v63  }
0x7e: {  	s10 =	sadd.s32 $0x200, s10;
	s9 =	sadd.s32 $0x20, s9  }
0x7f: {  	[tilespmem:s25], [sflag:$0x4] =	stream.linear.gather [hbm4b:s18+s5], $0x80, $0x38;
	[tilespmem:$0x1C200] =	vst v63  }
0x80: {  	_ =	swait.ge [sflag:s26], $0x80  }
0x81: {  	[sflag:s26] =	ssyncset.done $0x0  }
0x82: {  	[sflag:s26] =	ssyncadd.s32 $0xFFFFFF80  }
0x83: {  	_ =	swait.ge [sflag:s31], $0x80  }
0x84: {  	[sflag:s31] =	ssyncset.done $0x0  }
0x85: {  	[sflag:s31] =	ssyncadd.s32 $0xFFFFFF80  }
0x86: {  	_ =	swait.ge [sflag:s28], $0x80  }
0x87: {  	[sflag:s28] =	ssyncset.done $0x0  }
0x88: {  	[sflag:s28] =	ssyncadd.s32 $0xFFFFFF80  }
0x89: {  	s8 =	stileid.u32;
	_ =	swait.ge [sflag:s3], $0x80  }
0x8a: {  	s9 =	sshrl.u32 s7, $0x3;
	s2 =	sadd.s32 $0x1, s2;
	[sflag:s3] =	ssyncset.done $0x0  }
0x8b: {  	s8 =	sshll.u32 s8, $0x6;
	p0 =	sne.s32 s2, s17;
	[sflag:s3] =	ssyncadd.s32 $0xFFFFFF80  }
.Ltmp1:
0x8c: {  	s8 =	sor.u32 $0x1C07, s8;
	[bflag:$0x0] =	sbarrier.arrive $0xFFFF;
	(pc) =	sbr.rel @p0 .LBB2_1-.Ltmp1, $4  }
0x8d: {  	[hbm:s16], [sflag:s8] =	dma.local [spmem:s9], $0x2800  }
0x8e: {  	_ =	swait.ge [sflag:s22], $0x2800  }
0x8f: {  	[sflag:s22] =	ssyncset.done $0x0  }
0x90: {  	[sflag:s22] =	ssyncadd.s32 $0xFFFFD800  }
0x91: {  	_ =	sfence.sel $0x180000  }
0x92: {  	[bflag:$0x0] =	sbarrier.arrive $0xFFFF  }
0x93: {  	_ =	strace $0x9000004D  }
0x94: {  	s0 =	stileid.u32;
	[bflag:$0x2] =	sbarrier.arrive $0xFFFF  }
0x95: {  	p0 =	sne.s32 s0, $0x0;
	s0 =	rddreg [dreg:$0x4]  }
0x96: {  	s0 =	sadd.s32 @!p0 $0x100000, s0  }
0x97: {  	[sflag:s0] =	ssyncadd.tile.s32 @!p0 $0x1;
	_ =	shalt  }
.Lfunc_end2:
_tile_overlayer_lowered:
.L_overlay_start_2:
0x98: {  	(tag) =	ssettag $0x2  }
0x99: {  	s0 =	rddreg [dreg:$0x0];
	s2 =	stileid.u32  }
0x9a: {  	s1 =	rddreg [dreg:$0x1];
	p0 =	sne.s32 s2, $0x0  }
0x9b: {  	s3 =	rddreg [dreg:$0x2];
	[bflag:$0x3] =	sbarrier.arrive $0xFFFF;
	s2 =	simm.s32 @!p0 $0x1C07  }
0x9c: {  	[timem:s3], [sflag:s2] =	dma.local @!p0 [hbm:s0], s1  }
0x9d: {  	s0 =	simm.s32 @!p0 $0x7  }
0x9e: {  	_ =	swait.ge @!p0 [sflag:s0], s1  }
0x9f: {  	s1 =	ssub.s32 @!p0 $0x0, s1;
	[sflag:s0] =	ssyncset.done @!p0 $0x0  }
0xa0: {  	[sflag:s0] =	ssyncadd.s32 @!p0 s1  }
0xa1: {  	[bflag:$0x3] =	sbarrier.arrive $0xFFFF  }
0xa2: {  	_ =	shalt  }

</sc_bundles>
